<compile_context>
chip_gen: v7x
topology: tpu7x:2x2x1
jax: 0.10.2.dev20260603
libtpu: 0.0.44.dev20260713+nightly
codegen_flags: <defaults>
</compile_context>

<pallas_src>
import functools

import jax
import jax.numpy as jnp
from jax.experimental import pallas as pl
from jax.experimental.pallas import tpu as pltpu
from jax.experimental.pallas import tpu_sc as plsc

EMBED_DIM = 32
CHUNK = 128
CHUNKS_PER_STEP = 8
IDX_PER_STEP = CHUNK * CHUNKS_PER_STEP
OUT_MINOR = CHUNK * EMBED_DIM
TBLOCK = 8192


def _transpose_table(t_t):
    V = t_t.shape[1]

    def body(in_ref, out_ref):
        s = in_ref[...].T.reshape(TBLOCK // 4, 4, EMBED_DIM)
        out_ref[...] = jnp.concatenate(
            [s[:, k, :] for k in range(4)], axis=1
        )

    return pl.pallas_call(
        body,
        grid=(pl.cdiv(V, TBLOCK),),
        in_specs=[pl.BlockSpec((EMBED_DIM, TBLOCK), lambda i: (0, i))],
        out_specs=pl.BlockSpec((TBLOCK // 4, 128), lambda i: (i, 0)),
        out_shape=jax.ShapeDtypeStruct((V // 4, 128), jnp.float32),
        compiler_params=pltpu.CompilerParams(
            dimension_semantics=("parallel",)
        ),
    )(t_t)


@jax.jit
def kernel(x, table):
    B, L = x.shape
    V = table.shape[0]
    N = B * L
    x_t = jnp.transpose(x)
    table_rm = _transpose_table(jnp.transpose(table)).reshape(V, EMBED_DIM)
    mesh = plsc.VectorSubcoreMesh(core_axis_name="c", subcore_axis_name="s")
    steps_per_l = B // IDX_PER_STEP
    rows_per_step = IDX_PER_STEP * EMBED_DIM // OUT_MINOR

    @functools.partial(
        pl.kernel,
        out_type=jax.ShapeDtypeStruct((N, EMBED_DIM), table.dtype),
        mesh=mesh,
        compiler_params=pltpu.CompilerParams(use_tc_tiling_on_sc=False),
        scratch_types=[pltpu.SemaphoreType.DMA],
    )
    def gather_kernel(table_hbm, idx_hbm, out_hbm, sem):
        def body(idx_vmem, out_vmem):
            copies = [
                pltpu.async_copy(
                    table_hbm.at[idx_vmem.at[0, pl.ds(j * CHUNK, CHUNK)]],
                    out_vmem.at[pl.ds(j * CHUNK, CHUNK)],
                    sem,
                )
                for j in range(CHUNKS_PER_STEP)
            ]
            for c in copies:
                c.wait()

        pltpu.emit_pipeline(
            body,
            grid=(L, steps_per_l),
            in_specs=[
                pl.BlockSpec((1, IDX_PER_STEP), lambda l, i: (l, i))
            ],
            out_specs=[
                pl.BlockSpec(
                    (IDX_PER_STEP, EMBED_DIM),
                    lambda l, i: (l * steps_per_l + i, 0),
                )
            ],
            core_axis_name=("c", "s"),
            dimension_semantics=(pltpu.PARALLEL, pltpu.PARALLEL),
        )(idx_hbm, out_hbm)

    g = gather_kernel(table_rm, x_t)
    return g.reshape(L, B, EMBED_DIM).transpose(1, 0, 2)

# --- scband reference (transcript-rebuilt; emitter-appended) ---
"""Pipeline reference for scband-simple-text-encoder-65429531787482 (READ-ONLY COPY).

The authoritative reference and input builder live on the scoring server;
editing this copy changes nothing except your own understanding.
"""

import jax, jax.numpy as jnp
import numpy as np

VOCAB = 1000000
EMBED_DIM = 32
B = 16384
L = 50

def setup_inputs(seed: int = 0) -> dict:
    key = jax.random.key(seed)
    k_idx, k_tab = jax.random.split(key)
    x = jax.random.randint(k_idx, (B, L), 0, VOCAB, dtype=jnp.int64 if jax.config.jax_enable_x64 else jnp.int32).astype(jnp.int32)
    table = jax.random.normal(k_tab, (VOCAB, EMBED_DIM), dtype=jnp.float32)
    # padding_idx=0: row 0 is initialized to zeros in nn.Embedding
    table = table.at[0].set(0.0)
    return {"x": x, "table": table}

def reference(x, table):
    # nn.Embedding with padding_idx=0: row 0 acts as a zero vector
    t = table.at[0].set(0.0)
    return jnp.take(t, x, axis=0)

if __name__ == "__main__":
    import jax
    _d = setup_inputs()
    print(jax.jit(kernel)(*tuple(_d.values())))

</pallas_src>

<mosaic_0001>
#map = affine_map<(d0, d1) -> (0, 0)>
module attributes {stable_mosaic.version = 14 : i64} {
  func.func @gather_kernel(%arg0: i32, %arg1: i32, %arg2: memref<1000000x32xf32, #tpu.memory_space<hbm>>, %arg3: memref<50x16384xi32, #tpu.memory_space<hbm>>, %arg4: memref<819200x32xf32, #tpu.memory_space<hbm>>, %arg5: memref<!tpu.dma_semaphore, #tpu.memory_space<semaphore_mem>>) attributes {dimension_semantics = [#tpu.dimension_semantics<core_parallel>, #tpu.dimension_semantics<subcore_parallel>], iteration_bounds = array<i64: 2, 16>, scalar_prefetch = 0 : i64, scratch_operands = 1 : i64, tpu.core_type = #tpu.core_type<sc_vector_subcore>, window_params = [{transform_indices = #map}, {transform_indices = #map}, {transform_indices = #map}]} {
    %mul3A = arith.constant 1 : i32
    %mul3A_0 = arith.muli %arg1, %mul3A : i32
    %add3A = arith.constant 0 : i32
    %add3A_1 = arith.addi %add3A, %mul3A_0 : i32
    %mul3A_2 = arith.constant 16 : i32
    %mul3A_3 = arith.muli %arg0, %mul3A_2 : i32
    %add3A_4 = arith.addi %add3A_1, %mul3A_3 : i32
    %lt3A = arith.constant 18 : i32
    %lt3A_5 = arith.cmpi slt, %add3A_4, %lt3A : i32
    %jit3A = arith.constant 2 : i32
    %jit3A_6 = arith.constant 1 : i32
    %select_n3A = arith.select %lt3A_5, %jit3A, %jit3A_6 : i32
    %lt3A_7 = arith.constant 18 : i32
    %lt3A_8 = arith.cmpi slt, %add3A_4, %lt3A_7 : i32
    %mul3A_9 = arith.muli %add3A_4, %select_n3A : i32
    %mul3A_10 = arith.constant 1 : i32
    %mul3A_11 = arith.muli %add3A_4, %mul3A_10 : i32
    %add3A_12 = arith.constant 18 : i32
    %add3A_13 = arith.addi %mul3A_11, %add3A_12 : i32
    %select_n3A_14 = arith.select %lt3A_8, %mul3A_9, %add3A_13 : i32
    %mul3A_15 = arith.constant 1 : i32
    %mul3A_16 = arith.muli %mul3A_15, %select_n3A : i32
    %mul3A_17 = arith.constant 16 : i32
    %mul3A_18 = arith.muli %mul3A_16, %mul3A_17 : i32
    "tpu.region"() ({
      %run_scoped3A = memref.alloca() : memref<2x1x1024xi32, #tpu.memory_space<vmem>>
      %run_scoped3A_19 = tpu.sem_alloc : memref<2x!tpu.dma_semaphore, #tpu.memory_space<semaphore_mem>>
      %run_scoped3A_20 = memref.alloca() : memref<2x1024x32xf32, #tpu.memory_space<vmem>>
      %run_scoped3A_21 = tpu.sem_alloc : memref<2x!tpu.dma_semaphore, #tpu.memory_space<semaphore_mem>>
      %gt3A = arith.constant 0 : i32
      %gt3A_22 = arith.cmpi sgt, %mul3A_18, %gt3A : i32
      %convert_element_type3A = arith.extui %gt3A_22 : i1 to i32
      %cond3A = arith.constant 0 : i32
      %cond3A_23 = arith.cmpi ne, %convert_element_type3A, %cond3A : i32
      scf.if %cond3A_23 {
        %mul3A_24 = arith.constant 1 : i32
        %mul3A_25 = arith.muli %mul3A_24, %select_n3A : i32
        %mul3A_26 = arith.constant 16 : i32
        %mul3A_27 = arith.muli %mul3A_25, %mul3A_26 : i32
        %sub3A = arith.constant 1 : i32
        %sub3A_28 = arith.subi %mul3A_27, %sub3A : i32
        %eq3A = arith.constant 0 : i32
        %eq3A_29 = arith.cmpi eq, %sub3A_28, %eq3A : i32
        %add3A_30 = arith.constant 0 : i32
        %add3A_31 = arith.addi %add3A_30, %select_n3A_14 : i32
        %select_n3A_32 = arith.constant true
        %select_n3A_33 = arith.constant 0 : i32
        %select_n3A_34 = arith.constant -1 : i32
        %select_n3A_35 = arith.select %select_n3A_32, %select_n3A_34, %select_n3A_33 : i32
        %eq3A_36 = arith.constant -1 : i32
        %eq3A_37 = arith.cmpi eq, %select_n3A_35, %eq3A_36 : i32
        %select_n3A_38 = arith.constant 15 : i32
        %select_n3A_39 = arith.select %eq3A_37, %select_n3A_38, %select_n3A_35 : i32
        %select_n3A_40 = arith.constant 0 : i32
        %select_n3A_41 = arith.constant -1 : i32
        %select_n3A_42 = arith.select %eq3A_37, %select_n3A_41, %select_n3A_40 : i32
        %eq3A_43 = arith.constant -1 : i32
        %eq3A_44 = arith.cmpi eq, %select_n3A_42, %eq3A_43 : i32
        %sub3A_45 = arith.constant 1 : i32
        %sub3A_46 = arith.subi %select_n3A, %sub3A_45 : i32
        %select_n3A_47 = arith.select %eq3A_44, %sub3A_46, %select_n3A_42 : i32
        %add3A_48 = arith.addi %select_n3A_47, %select_n3A_14 : i32
        %add3A_49 = arith.constant 0 : i32
        %add3A_50 = arith.addi %select_n3A_39, %add3A_49 : i32
        %select_n3A_51 = arith.constant true
        %select_n3A_52 = arith.constant 0 : i32
        %select_n3A_53 = arith.constant 1 : i32
        %select_n3A_54 = arith.select %select_n3A_51, %select_n3A_53, %select_n3A_52 : i32
        %eq3A_55 = arith.constant 16 : i32
        %eq3A_56 = arith.cmpi eq, %select_n3A_54, %eq3A_55 : i32
        %select_n3A_57 = arith.constant 0 : i32
        %select_n3A_58 = arith.select %eq3A_56, %select_n3A_57, %select_n3A_54 : i32
        %select_n3A_59 = arith.constant 0 : i32
        %select_n3A_60 = arith.constant 1 : i32
        %select_n3A_61 = arith.select %eq3A_56, %select_n3A_60, %select_n3A_59 : i32
        %eq3A_62 = arith.cmpi eq, %select_n3A_61, %select_n3A : i32
        %select_n3A_63 = arith.constant 0 : i32
        %select_n3A_64 = arith.select %eq3A_62, %select_n3A_63, %select_n3A_61 : i32
        %add3A_65 = arith.addi %select_n3A_64, %select_n3A_14 : i32
        %add3A_66 = arith.constant 0 : i32
        %add3A_67 = arith.addi %select_n3A_58, %add3A_66 : i32
        %add3A_68 = arith.constant 1 : i32
        %add3A_69 = arith.addi %select_n3A_58, %add3A_68 : i32
        %select_n3A_70 = arith.constant true
        %select_n3A_71 = arith.select %select_n3A_70, %add3A_69, %select_n3A_58 : i32
        %eq3A_72 = arith.constant 16 : i32
        %eq3A_73 = arith.cmpi eq, %select_n3A_71, %eq3A_72 : i32
        %select_n3A_74 = arith.constant 0 : i32
        %select_n3A_75 = arith.select %eq3A_73, %select_n3A_74, %select_n3A_71 : i32
        %add3A_76 = arith.constant 1 : i32
        %add3A_77 = arith.addi %select_n3A_64, %add3A_76 : i32
        %select_n3A_78 = arith.select %eq3A_73, %add3A_77, %select_n3A_64 : i32
        %eq3A_79 = arith.cmpi eq, %select_n3A_78, %select_n3A : i32
        %select_n3A_80 = arith.constant 0 : i32
        %select_n3A_81 = arith.select %eq3A_79, %select_n3A_80, %select_n3A_78 : i32
        %add3A_82 = arith.addi %select_n3A_81, %select_n3A_14 : i32
        %add3A_83 = arith.constant 0 : i32
        %add3A_84 = arith.addi %select_n3A_75, %add3A_83 : i32
        "tpu.trace_start"() <{level = 10 : i32, message = "ep_initialize_0"}> : () -> ()
        %rem3A = arith.constant 0 : i32
        %rem3A_85 = arith.constant 2 : i32
        %rem3A_86 = arith.remui %rem3A, %rem3A_85 : i32
        %mul3A_87 = arith.constant 1 : i32
        %mul3A_88 = arith.muli %mul3A_87, %add3A_31 : i32
        %dma_start3A = arith.constant 0 : i32
        %dma_start3A_89 = arith.constant 0 : i32
        %dma_start3A_90 = tpu.memref_slice %run_scoped3A[%rem3A_86, %dma_start3A, %dma_start3A_89] : memref<2x1x1024xi32, #tpu.memory_space<vmem>> -> memref<1x1x1024xi32, #tpu.memory_space<vmem>>
        %dma_start3A_91 = tpu.memref_squeeze %dma_start3A_90 : memref<1x1x1024xi32, #tpu.memory_space<vmem>> -> memref<1x1024xi32, #tpu.memory_space<vmem>>
        %dma_start3A_92 = arith.constant 0 : i32
        %dma_start3A_93 = tpu.memref_slice %arg3[%mul3A_88, %dma_start3A_92] : memref<50x16384xi32, #tpu.memory_space<hbm>> -> memref<1x1024xi32, #tpu.memory_space<hbm>>
        %dma_start3A_94 = tpu.memref_slice %run_scoped3A_19[%rem3A_86] : memref<2x!tpu.dma_semaphore, #tpu.memory_space<semaphore_mem>> -> memref<1x!tpu.dma_semaphore, #tpu.memory_space<semaphore_mem>>
        %dma_start3A_95 = tpu.memref_squeeze %dma_start3A_94 : memref<1x!tpu.dma_semaphore, #tpu.memory_space<semaphore_mem>> -> memref<!tpu.dma_semaphore, #tpu.memory_space<semaphore_mem>>
        %dma_start3A_96 = arith.constant 0 : i32
        %dma_start3A_97 = arith.constant 0 : i32
        %dma_start3A_98 = tpu.memref_slice %run_scoped3A[%rem3A_86, %dma_start3A_96, %dma_start3A_97] : memref<2x1x1024xi32, #tpu.memory_space<vmem>> -> memref<1x1x1024xi32, #tpu.memory_space<vmem>>
        %dma_start3A_99 = tpu.memref_squeeze %dma_start3A_98 : memref<1x1x1024xi32, #tpu.memory_space<vmem>> -> memref<1x1024xi32, #tpu.memory_space<vmem>>
        %dma_start3A_100 = arith.constant 0 : i32
        %dma_start3A_101 = tpu.memref_slice %arg3[%mul3A_88, %dma_start3A_100] : memref<50x16384xi32, #tpu.memory_space<hbm>> -> memref<1x1024xi32, #tpu.memory_space<hbm>>
        tpu.enqueue_dma source(%dma_start3A_101 : memref<1x1024xi32, #tpu.memory_space<hbm>>) target(%dma_start3A_99 : memref<1x1024xi32, #tpu.memory_space<vmem>>) target_semaphore(%dma_start3A_95 : memref<!tpu.dma_semaphore, #tpu.memory_space<semaphore_mem>>)
        %add3A_102 = arith.constant 0 : i32
        %add3A_103 = arith.constant 1 : i32
        %add3A_104 = arith.addi %add3A_102, %add3A_103 : i32
        %select_n3A_105 = arith.constant true
        %select_n3A_106 = arith.constant 0 : i32
        %select_n3A_107 = arith.select %select_n3A_105, %add3A_104, %select_n3A_106 : i32
        %while3A = arith.constant 0 : i32
        %while3A_108 = arith.constant 0 : i32
        %while3A_109 = arith.constant 0 : i32
        %while3A_110 = arith.constant 0 : i32
        %while3A_111 = arith.constant 0 : i32
        %while3A_112 = arith.constant 0 : i32
        "tpu.trace_stop"() : () -> ()
        %while3A_113 = arith.subi %mul3A_18, %while3A : i32
        %while3A_114 = arith.addi %while3A, %while3A_113 : i32
        %while3A_115 = arith.constant 1 : i32
        %while3A_116 = arith.divsi %while3A_113, %while3A_115 : i32
        %while3A_117 = arith.muli %while3A_116, %while3A_115 : i32
        %while3A_118 = arith.addi %while3A, %while3A_117 : i32
        %while3A_119 = arith.constant 1 : i32
        %while3A_120:6 = scf.for %while3A_212 = %while3A to %while3A_118 step %while3A_119 iter_args(%while3A_213 = %select_n3A_107, %while3A_214 = %while3A_108, %while3A_215 = %while3A_109, %while3A_216 = %while3A_110, %while3A_217 = %while3A_111, %while3A_218 = %while3A_112) -> (i32, i32, i32, i32, i32, i32)  : i32 {
          %mul3A_219 = arith.constant 1 : i32
          %mul3A_220 = arith.muli %mul3A_219, %select_n3A : i32
          %mul3A_221 = arith.constant 16 : i32
          %mul3A_222 = arith.muli %mul3A_220, %mul3A_221 : i32
          %eq3A_223 = arith.constant 0 : i32
          %eq3A_224 = arith.cmpi eq, %while3A_212, %eq3A_223 : i32
          %sub3A_225 = arith.constant 1 : i32
          %sub3A_226 = arith.subi %mul3A_222, %sub3A_225 : i32
          %eq3A_227 = arith.cmpi eq, %while3A_212, %sub3A_226 : i32
          %add3A_228 = arith.addi %while3A_217, %select_n3A_14 : i32
          %add3A_229 = arith.constant 0 : i32
          %add3A_230 = arith.addi %while3A_218, %add3A_229 : i32
          %sub3A_231 = arith.constant 1 : i32
          %sub3A_232 = arith.subi %while3A_218, %sub3A_231 : i32
          %select_n3A_233 = arith.constant true
          %select_n3A_234 = arith.select %select_n3A_233, %sub3A_232, %while3A_218 : i32
          %eq3A_235 = arith.constant -1 : i32
          %eq3A_236 = arith.cmpi eq, %select_n3A_234, %eq3A_235 : i32
          %select_n3A_237 = arith.constant 15 : i32
          %select_n3A_238 = arith.select %eq3A_236, %select_n3A_237, %select_n3A_234 : i32
          %sub3A_239 = arith.constant 1 : i32
          %sub3A_240 = arith.subi %while3A_217, %sub3A_239 : i32
          %select_n3A_241 = arith.select %eq3A_236, %sub3A_240, %while3A_217 : i32
          %eq3A_242 = arith.constant -1 : i32
          %eq3A_243 = arith.cmpi eq, %select_n3A_241, %eq3A_242 : i32
          %sub3A_244 = arith.constant 1 : i32
          %sub3A_245 = arith.subi %select_n3A, %sub3A_244 : i32
          %select_n3A_246 = arith.select %eq3A_243, %sub3A_245, %select_n3A_241 : i32
          %add3A_247 = arith.addi %select_n3A_246, %select_n3A_14 : i32
          %add3A_248 = arith.constant 0 : i32
          %add3A_249 = arith.addi %select_n3A_238, %add3A_248 : i32
          %add3A_250 = arith.constant 1 : i32
          %add3A_251 = arith.addi %while3A_218, %add3A_250 : i32
          %select_n3A_252 = arith.constant true
          %select_n3A_253 = arith.select %select_n3A_252, %add3A_251, %while3A_218 : i32
          %eq3A_254 = arith.constant 16 : i32
          %eq3A_255 = arith.cmpi eq, %select_n3A_253, %eq3A_254 : i32
          %select_n3A_256 = arith.constant 0 : i32
          %select_n3A_257 = arith.select %eq3A_255, %select_n3A_256, %select_n3A_253 : i32
          %add3A_258 = arith.constant 1 : i32
          %add3A_259 = arith.addi %while3A_217, %add3A_258 : i32
          %select_n3A_260 = arith.select %eq3A_255, %add3A_259, %while3A_217 : i32
          %eq3A_261 = arith.cmpi eq, %select_n3A_260, %select_n3A : i32
          %select_n3A_262 = arith.constant 0 : i32
          %select_n3A_263 = arith.select %eq3A_261, %select_n3A_262, %select_n3A_260 : i32
          %add3A_264 = arith.addi %select_n3A_263, %select_n3A_14 : i32
          %add3A_265 = arith.constant 0 : i32
          %add3A_266 = arith.addi %select_n3A_257, %add3A_265 : i32
          %add3A_267 = arith.constant 1 : i32
          %add3A_268 = arith.addi %select_n3A_257, %add3A_267 : i32
          %select_n3A_269 = arith.constant true
          %select_n3A_270 = arith.select %select_n3A_269, %add3A_268, %select_n3A_257 : i32
          %eq3A_271 = arith.constant 16 : i32
          %eq3A_272 = arith.cmpi eq, %select_n3A_270, %eq3A_271 : i32
          %select_n3A_273 = arith.constant 0 : i32
          %select_n3A_274 = arith.select %eq3A_272, %select_n3A_273, %select_n3A_270 : i32
          %add3A_275 = arith.constant 1 : i32
          %add3A_276 = arith.addi %select_n3A_263, %add3A_275 : i32
          %select_n3A_277 = arith.select %eq3A_272, %add3A_276, %select_n3A_263 : i32
          %eq3A_278 = arith.cmpi eq, %select_n3A_277, %select_n3A : i32
          %select_n3A_279 = arith.constant 0 : i32
          %select_n3A_280 = arith.select %eq3A_278, %select_n3A_279, %select_n3A_277 : i32
          %add3A_281 = arith.addi %select_n3A_280, %select_n3A_14 : i32
          %add3A_282 = arith.constant 0 : i32
          %add3A_283 = arith.addi %select_n3A_274, %add3A_282 : i32
          %ne3A = arith.cmpi ne, %add3A_228, %add3A_264 : i32
          %ne3A_284 = arith.cmpi ne, %add3A_230, %add3A_266 : i32
          %or3A = arith.constant false
          %or3A_285 = arith.ori %or3A, %ne3A : i1
          %or3A_286 = arith.ori %or3A_285, %ne3A_284 : i1
          %sub3A_287 = arith.constant 2 : i32
          %sub3A_288 = arith.subi %mul3A_222, %sub3A_287 : i32
          %add3A_289 = arith.constant 1 : i32
          %add3A_290 = arith.addi %sub3A_288, %add3A_289 : i32
          %ge3A = arith.cmpi sge, %while3A_212, %add3A_290 : i32
          %not3A = arith.constant true
          %not3A_291 = arith.xori %ge3A, %not3A : i1
          %and3A = arith.andi %or3A_286, %not3A_291 : i1
          %convert_element_type3A_292 = arith.extui %and3A : i1 to i32
          %cond3A_293 = arith.constant 0 : i32
          %cond3A_294 = arith.cmpi ne, %convert_element_type3A_292, %cond3A_293 : i32
          scf.if %cond3A_294 {
            "tpu.trace_start"() <{level = 10 : i32, message = "ep_copy_in"}> : () -> ()
            %rem3A_723 = arith.constant 2 : i32
            %rem3A_724 = arith.remui %while3A_213, %rem3A_723 : i32
            %mul3A_725 = arith.constant 1 : i32
            %mul3A_726 = arith.muli %mul3A_725, %add3A_264 : i32
            %mul3A_727 = arith.constant 1024 : i32
            %mul3A_728 = arith.muli %mul3A_727, %add3A_266 : i32
            %dma_start3A_729 = arith.constant 0 : i32
            %dma_start3A_730 = arith.constant 0 : i32
            %dma_start3A_731 = tpu.memref_slice %run_scoped3A[%rem3A_724, %dma_start3A_729, %dma_start3A_730] : memref<2x1x1024xi32, #tpu.memory_space<vmem>> -> memref<1x1x1024xi32, #tpu.memory_space<vmem>>
            %dma_start3A_732 = tpu.memref_squeeze %dma_start3A_731 : memref<1x1x1024xi32, #tpu.memory_space<vmem>> -> memref<1x1024xi32, #tpu.memory_space<vmem>>
            %dma_start3A_733 = tpu.memref_slice %arg3[%mul3A_726, %mul3A_728] : memref<50x16384xi32, #tpu.memory_space<hbm>> -> memref<1x1024xi32, #tpu.memory_space<hbm>>
            %dma_start3A_734 = tpu.memref_slice %run_scoped3A_19[%rem3A_724] : memref<2x!tpu.dma_semaphore, #tpu.memory_space<semaphore_mem>> -> memref<1x!tpu.dma_semaphore, #tpu.memory_space<semaphore_mem>>
            %dma_start3A_735 = tpu.memref_squeeze %dma_start3A_734 : memref<1x!tpu.dma_semaphore, #tpu.memory_space<semaphore_mem>> -> memref<!tpu.dma_semaphore, #tpu.memory_space<semaphore_mem>>
            %dma_start3A_736 = arith.constant 0 : i32
            %dma_start3A_737 = arith.constant 0 : i32
            %dma_start3A_738 = tpu.memref_slice %run_scoped3A[%rem3A_724, %dma_start3A_736, %dma_start3A_737] : memref<2x1x1024xi32, #tpu.memory_space<vmem>> -> memref<1x1x1024xi32, #tpu.memory_space<vmem>>
            %dma_start3A_739 = tpu.memref_squeeze %dma_start3A_738 : memref<1x1x1024xi32, #tpu.memory_space<vmem>> -> memref<1x1024xi32, #tpu.memory_space<vmem>>
            %dma_start3A_740 = tpu.memref_slice %arg3[%mul3A_726, %mul3A_728] : memref<50x16384xi32, #tpu.memory_space<hbm>> -> memref<1x1024xi32, #tpu.memory_space<hbm>>
            tpu.enqueue_dma source(%dma_start3A_740 : memref<1x1024xi32, #tpu.memory_space<hbm>>) target(%dma_start3A_739 : memref<1x1024xi32, #tpu.memory_space<vmem>>) target_semaphore(%dma_start3A_735 : memref<!tpu.dma_semaphore, #tpu.memory_space<semaphore_mem>>)
            "tpu.trace_stop"() : () -> ()
          } else {
          }
          %and3A_295 = arith.constant true
          %and3A_296 = arith.andi %and3A, %and3A_295 : i1
          %add3A_297 = arith.constant 1 : i32
          %add3A_298 = arith.addi %while3A_213, %add3A_297 : i32
          %select_n3A_299 = arith.select %and3A_296, %add3A_298, %while3A_213 : i32
          %mul3A_300 = arith.constant 16 : i32
          %mul3A_301 = arith.muli %add3A_228, %mul3A_300 : i32
          %add3A_302 = arith.addi %mul3A_301, %add3A_230 : i32
          %mul3A_303 = arith.constant 16 : i32
          %mul3A_304 = arith.muli %add3A_264, %mul3A_303 : i32
          %add3A_305 = arith.addi %mul3A_304, %add3A_266 : i32
          %ne3A_306 = arith.cmpi ne, %add3A_302, %add3A_305 : i32
          %or3A_307 = arith.constant false
          %or3A_308 = arith.ori %or3A_307, %ne3A_306 : i1
          %or3A_309 = arith.constant false
          %or3A_310 = arith.ori %or3A_308, %or3A_309 : i1
          %sub3A_311 = arith.constant 2 : i32
          %sub3A_312 = arith.subi %mul3A_222, %sub3A_311 : i32
          %add3A_313 = arith.constant 1 : i32
          %add3A_314 = arith.addi %sub3A_312, %add3A_313 : i32
          %ge3A_315 = arith.cmpi sge, %while3A_212, %add3A_314 : i32
          %not3A_316 = arith.constant true
          %not3A_317 = arith.xori %ge3A_315, %not3A_316 : i1
          %and3A_318 = arith.andi %or3A_310, %not3A_317 : i1
          %ne3A_319 = arith.cmpi ne, %add3A_228, %add3A_247 : i32
          %ne3A_320 = arith.cmpi ne, %add3A_230, %add3A_249 : i32
          %or3A_321 = arith.constant false
          %or3A_322 = arith.ori %or3A_321, %ne3A_319 : i1
          %or3A_323 = arith.ori %or3A_322, %ne3A_320 : i1
          %or3A_324 = arith.ori %or3A_323, %eq3A_224 : i1
          %convert_element_type3A_325 = arith.extui %or3A_324 : i1 to i32
          %cond3A_326 = arith.constant 0 : i32
          %cond3A_327 = arith.cmpi ne, %convert_element_type3A_325, %cond3A_326 : i32
          scf.if %cond3A_327 {
            "tpu.trace_start"() <{level = 10 : i32, message = "ep_wait_in"}> : () -> ()
            %mul3A_723 = arith.constant 1 : i32
            %mul3A_724 = arith.muli %mul3A_723, %add3A_228 : i32
            %mul3A_725 = arith.constant 1024 : i32
            %mul3A_726 = arith.muli %mul3A_725, %add3A_230 : i32
            %rem3A_727 = arith.constant 2 : i32
            %rem3A_728 = arith.remui %while3A_214, %rem3A_727 : i32
            %dma_wait3A_729 = arith.constant 0 : i32
            %dma_wait3A_730 = arith.constant 0 : i32
            %dma_wait3A_731 = tpu.memref_slice %run_scoped3A[%rem3A_728, %dma_wait3A_729, %dma_wait3A_730] : memref<2x1x1024xi32, #tpu.memory_space<vmem>> -> memref<1x1x1024xi32, #tpu.memory_space<vmem>>
            %dma_wait3A_732 = tpu.memref_squeeze %dma_wait3A_731 : memref<1x1x1024xi32, #tpu.memory_space<vmem>> -> memref<1x1024xi32, #tpu.memory_space<vmem>>
            %dma_wait3A_733 = tpu.memref_slice %arg3[%mul3A_724, %mul3A_726] : memref<50x16384xi32, #tpu.memory_space<hbm>> -> memref<1x1024xi32, #tpu.memory_space<hbm>>
            %dma_wait3A_734 = tpu.memref_slice %run_scoped3A_19[%rem3A_728] : memref<2x!tpu.dma_semaphore, #tpu.memory_space<semaphore_mem>> -> memref<1x!tpu.dma_semaphore, #tpu.memory_space<semaphore_mem>>
            %dma_wait3A_735 = tpu.memref_squeeze %dma_wait3A_734 : memref<1x!tpu.dma_semaphore, #tpu.memory_space<semaphore_mem>> -> memref<!tpu.dma_semaphore, #tpu.memory_space<semaphore_mem>>
            %dma_wait3A_736 = arith.constant 0 : i32
            %dma_wait3A_737 = arith.constant 0 : i32
            %dma_wait3A_738 = tpu.memref_slice %run_scoped3A[%rem3A_728, %dma_wait3A_736, %dma_wait3A_737] : memref<2x1x1024xi32, #tpu.memory_space<vmem>> -> memref<1x1x1024xi32, #tpu.memory_space<vmem>>
            %dma_wait3A_739 = tpu.memref_squeeze %dma_wait3A_738 : memref<1x1x1024xi32, #tpu.memory_space<vmem>> -> memref<1x1024xi32, #tpu.memory_space<vmem>>
            %dma_wait3A_740 = tpu.memref_slice %arg3[%mul3A_724, %mul3A_726] : memref<50x16384xi32, #tpu.memory_space<hbm>> -> memref<1x1024xi32, #tpu.memory_space<hbm>>
            tpu.wait_dma2 semaphore(%dma_wait3A_735 : memref<!tpu.dma_semaphore, #tpu.memory_space<semaphore_mem>>) src(%dma_wait3A_740 : memref<1x1024xi32, #tpu.memory_space<hbm>>) dst(%dma_wait3A_739 : memref<1x1024xi32, #tpu.memory_space<vmem>>)
            "tpu.trace_stop"() : () -> ()
          } else {
          }
          %mul3A_328 = arith.constant 16 : i32
          %mul3A_329 = arith.muli %add3A_228, %mul3A_328 : i32
          %add3A_330 = arith.addi %mul3A_329, %add3A_230 : i32
          %mul3A_331 = arith.constant 16 : i32
          %mul3A_332 = arith.muli %add3A_247, %mul3A_331 : i32
          %add3A_333 = arith.addi %mul3A_332, %add3A_249 : i32
          %ne3A_334 = arith.cmpi ne, %add3A_330, %add3A_333 : i32
          %or3A_335 = arith.constant false
          %or3A_336 = arith.ori %or3A_335, %ne3A_334 : i1
          %or3A_337 = arith.constant false
          %or3A_338 = arith.ori %or3A_336, %or3A_337 : i1
          %or3A_339 = arith.ori %or3A_338, %eq3A_224 : i1
          %convert_element_type3A_340 = arith.extui %or3A_339 : i1 to i32
          %cond3A_341 = arith.constant 0 : i32
          %cond3A_342 = arith.cmpi ne, %convert_element_type3A_340, %cond3A_341 : i32
          scf.if %cond3A_342 {
          } else {
          }
          %rem3A_343 = arith.constant 2 : i32
          %rem3A_344 = arith.remui %while3A_214, %rem3A_343 : i32
          %rem3A_345 = arith.constant 2 : i32
          %rem3A_346 = arith.remui %while3A_215, %rem3A_345 : i32
          %dma_start3A_347 = arith.constant 0 : i32
          "tpu.trace_start"() <{level = 10 : i32, message = "ep_run_kernel"}> : () -> ()
          %dma_start3A_348 = arith.constant 0 : i32
          %dma_start3A_349 = arith.constant 0 : i32
          %dma_start3A_350 = tpu.memref_slice %run_scoped3A_20[%rem3A_346, %dma_start3A_348, %dma_start3A_349] : memref<2x1024x32xf32, #tpu.memory_space<vmem>> -> memref<1x1024x32xf32, #tpu.memory_space<vmem>>
          %dma_start3A_351 = tpu.memref_squeeze %dma_start3A_350 : memref<1x1024x32xf32, #tpu.memory_space<vmem>> -> memref<1024x32xf32, #tpu.memory_space<vmem>>
          %dma_start3A_352 = arith.constant 0 : i32
          %dma_start3A_353 = arith.constant 0 : i32
          %dma_start3A_354 = tpu.memref_slice %dma_start3A_351[%dma_start3A_352, %dma_start3A_353] : memref<1024x32xf32, #tpu.memory_space<vmem>> -> memref<128x32xf32, #tpu.memory_space<vmem>>
          %dma_start3A_355 = arith.constant 0 : i32
          %dma_start3A_356 = arith.constant 0 : i32
          %dma_start3A_357 = tpu.memref_slice %run_scoped3A[%rem3A_344, %dma_start3A_355, %dma_start3A_356] : memref<2x1x1024xi32, #tpu.memory_space<vmem>> -> memref<1x1x1024xi32, #tpu.memory_space<vmem>>
          %dma_start3A_358 = tpu.memref_squeeze %dma_start3A_357 : memref<1x1x1024xi32, #tpu.memory_space<vmem>> -> memref<1x1024xi32, #tpu.memory_space<vmem>>
          %dma_start3A_359 = arith.constant 0 : i32
          %dma_start3A_360 = tpu.memref_slice %dma_start3A_358[%dma_start3A_347, %dma_start3A_359] : memref<1x1024xi32, #tpu.memory_space<vmem>> -> memref<1x128xi32, #tpu.memory_space<vmem>>
          %dma_start3A_361 = tpu.memref_squeeze %dma_start3A_360 : memref<1x128xi32, #tpu.memory_space<vmem>> -> memref<128xi32, #tpu.memory_space<vmem>>
          %dma_start3A_362 = arith.constant 0 : i32
          %dma_start3A_363 = arith.constant 0 : i32
          %dma_start3A_364 = tpu.memref_slice %arg2[%dma_start3A_362, %dma_start3A_363] : memref<1000000x32xf32, #tpu.memory_space<hbm>> -> memref<1000000x32xf32, #tpu.memory_space<hbm>>
          tpu.enqueue_indirect_dma source(%dma_start3A_364 : memref<1000000x32xf32, #tpu.memory_space<hbm>>) target(%dma_start3A_354 : memref<128x32xf32, #tpu.memory_space<vmem>>) offsets(%dma_start3A_361 : memref<128xi32, #tpu.memory_space<vmem>>) semaphore(%arg5 : memref<!tpu.dma_semaphore, #tpu.memory_space<semaphore_mem>>)
          %dma_start3A_365 = arith.constant 0 : i32
          %dma_start3A_366 = arith.constant 0 : i32
          %dma_start3A_367 = arith.constant 0 : i32
          %dma_start3A_368 = tpu.memref_slice %run_scoped3A_20[%rem3A_346, %dma_start3A_366, %dma_start3A_367] : memref<2x1024x32xf32, #tpu.memory_space<vmem>> -> memref<1x1024x32xf32, #tpu.memory_space<vmem>>
          %dma_start3A_369 = tpu.memref_squeeze %dma_start3A_368 : memref<1x1024x32xf32, #tpu.memory_space<vmem>> -> memref<1024x32xf32, #tpu.memory_space<vmem>>
          %dma_start3A_370 = arith.constant 128 : i32
          %dma_start3A_371 = arith.constant 0 : i32
          %dma_start3A_372 = tpu.memref_slice %dma_start3A_369[%dma_start3A_370, %dma_start3A_371] : memref<1024x32xf32, #tpu.memory_space<vmem>> -> memref<128x32xf32, #tpu.memory_space<vmem>>
          %dma_start3A_373 = arith.constant 0 : i32
          %dma_start3A_374 = arith.constant 0 : i32
          %dma_start3A_375 = tpu.memref_slice %run_scoped3A[%rem3A_344, %dma_start3A_373, %dma_start3A_374] : memref<2x1x1024xi32, #tpu.memory_space<vmem>> -> memref<1x1x1024xi32, #tpu.memory_space<vmem>>
          %dma_start3A_376 = tpu.memref_squeeze %dma_start3A_375 : memref<1x1x1024xi32, #tpu.memory_space<vmem>> -> memref<1x1024xi32, #tpu.memory_space<vmem>>
          %dma_start3A_377 = arith.constant 128 : i32
          %dma_start3A_378 = tpu.memref_slice %dma_start3A_376[%dma_start3A_365, %dma_start3A_377] : memref<1x1024xi32, #tpu.memory_space<vmem>> -> memref<1x128xi32, #tpu.memory_space<vmem>>
          %dma_start3A_379 = tpu.memref_squeeze %dma_start3A_378 : memref<1x128xi32, #tpu.memory_space<vmem>> -> memref<128xi32, #tpu.memory_space<vmem>>
          %dma_start3A_380 = arith.constant 0 : i32
          %dma_start3A_381 = arith.constant 0 : i32
          %dma_start3A_382 = tpu.memref_slice %arg2[%dma_start3A_380, %dma_start3A_381] : memref<1000000x32xf32, #tpu.memory_space<hbm>> -> memref<1000000x32xf32, #tpu.memory_space<hbm>>
          tpu.enqueue_indirect_dma source(%dma_start3A_382 : memref<1000000x32xf32, #tpu.memory_space<hbm>>) target(%dma_start3A_372 : memref<128x32xf32, #tpu.memory_space<vmem>>) offsets(%dma_start3A_379 : memref<128xi32, #tpu.memory_space<vmem>>) semaphore(%arg5 : memref<!tpu.dma_semaphore, #tpu.memory_space<semaphore_mem>>)
          %dma_start3A_383 = arith.constant 0 : i32
          %dma_start3A_384 = arith.constant 0 : i32
          %dma_start3A_385 = arith.constant 0 : i32
          %dma_start3A_386 = tpu.memref_slice %run_scoped3A_20[%rem3A_346, %dma_start3A_384, %dma_start3A_385] : memref<2x1024x32xf32, #tpu.memory_space<vmem>> -> memref<1x1024x32xf32, #tpu.memory_space<vmem>>
          %dma_start3A_387 = tpu.memref_squeeze %dma_start3A_386 : memref<1x1024x32xf32, #tpu.memory_space<vmem>> -> memref<1024x32xf32, #tpu.memory_space<vmem>>
          %dma_start3A_388 = arith.constant 256 : i32
          %dma_start3A_389 = arith.constant 0 : i32
          %dma_start3A_390 = tpu.memref_slice %dma_start3A_387[%dma_start3A_388, %dma_start3A_389] : memref<1024x32xf32, #tpu.memory_space<vmem>> -> memref<128x32xf32, #tpu.memory_space<vmem>>
          %dma_start3A_391 = arith.constant 0 : i32
          %dma_start3A_392 = arith.constant 0 : i32
          %dma_start3A_393 = tpu.memref_slice %run_scoped3A[%rem3A_344, %dma_start3A_391, %dma_start3A_392] : memref<2x1x1024xi32, #tpu.memory_space<vmem>> -> memref<1x1x1024xi32, #tpu.memory_space<vmem>>
          %dma_start3A_394 = tpu.memref_squeeze %dma_start3A_393 : memref<1x1x1024xi32, #tpu.memory_space<vmem>> -> memref<1x1024xi32, #tpu.memory_space<vmem>>
          %dma_start3A_395 = arith.constant 256 : i32
          %dma_start3A_396 = tpu.memref_slice %dma_start3A_394[%dma_start3A_383, %dma_start3A_395] : memref<1x1024xi32, #tpu.memory_space<vmem>> -> memref<1x128xi32, #tpu.memory_space<vmem>>
          %dma_start3A_397 = tpu.memref_squeeze %dma_start3A_396 : memref<1x128xi32, #tpu.memory_space<vmem>> -> memref<128xi32, #tpu.memory_space<vmem>>
          %dma_start3A_398 = arith.constant 0 : i32
          %dma_start3A_399 = arith.constant 0 : i32
          %dma_start3A_400 = tpu.memref_slice %arg2[%dma_start3A_398, %dma_start3A_399] : memref<1000000x32xf32, #tpu.memory_space<hbm>> -> memref<1000000x32xf32, #tpu.memory_space<hbm>>
          tpu.enqueue_indirect_dma source(%dma_start3A_400 : memref<1000000x32xf32, #tpu.memory_space<hbm>>) target(%dma_start3A_390 : memref<128x32xf32, #tpu.memory_space<vmem>>) offsets(%dma_start3A_397 : memref<128xi32, #tpu.memory_space<vmem>>) semaphore(%arg5 : memref<!tpu.dma_semaphore, #tpu.memory_space<semaphore_mem>>)
          %dma_start3A_401 = arith.constant 0 : i32
          %dma_start3A_402 = arith.constant 0 : i32
          %dma_start3A_403 = arith.constant 0 : i32
          %dma_start3A_404 = tpu.memref_slice %run_scoped3A_20[%rem3A_346, %dma_start3A_402, %dma_start3A_403] : memref<2x1024x32xf32, #tpu.memory_space<vmem>> -> memref<1x1024x32xf32, #tpu.memory_space<vmem>>
          %dma_start3A_405 = tpu.memref_squeeze %dma_start3A_404 : memref<1x1024x32xf32, #tpu.memory_space<vmem>> -> memref<1024x32xf32, #tpu.memory_space<vmem>>
          %dma_start3A_406 = arith.constant 384 : i32
          %dma_start3A_407 = arith.constant 0 : i32
          %dma_start3A_408 = tpu.memref_slice %dma_start3A_405[%dma_start3A_406, %dma_start3A_407] : memref<1024x32xf32, #tpu.memory_space<vmem>> -> memref<128x32xf32, #tpu.memory_space<vmem>>
          %dma_start3A_409 = arith.constant 0 : i32
          %dma_start3A_410 = arith.constant 0 : i32
          %dma_start3A_411 = tpu.memref_slice %run_scoped3A[%rem3A_344, %dma_start3A_409, %dma_start3A_410] : memref<2x1x1024xi32, #tpu.memory_space<vmem>> -> memref<1x1x1024xi32, #tpu.memory_space<vmem>>
          %dma_start3A_412 = tpu.memref_squeeze %dma_start3A_411 : memref<1x1x1024xi32, #tpu.memory_space<vmem>> -> memref<1x1024xi32, #tpu.memory_space<vmem>>
          %dma_start3A_413 = arith.constant 384 : i32
          %dma_start3A_414 = tpu.memref_slice %dma_start3A_412[%dma_start3A_401, %dma_start3A_413] : memref<1x1024xi32, #tpu.memory_space<vmem>> -> memref<1x128xi32, #tpu.memory_space<vmem>>
          %dma_start3A_415 = tpu.memref_squeeze %dma_start3A_414 : memref<1x128xi32, #tpu.memory_space<vmem>> -> memref<128xi32, #tpu.memory_space<vmem>>
          %dma_start3A_416 = arith.constant 0 : i32
          %dma_start3A_417 = arith.constant 0 : i32
          %dma_start3A_418 = tpu.memref_slice %arg2[%dma_start3A_416, %dma_start3A_417] : memref<1000000x32xf32, #tpu.memory_space<hbm>> -> memref<1000000x32xf32, #tpu.memory_space<hbm>>
          tpu.enqueue_indirect_dma source(%dma_start3A_418 : memref<1000000x32xf32, #tpu.memory_space<hbm>>) target(%dma_start3A_408 : memref<128x32xf32, #tpu.memory_space<vmem>>) offsets(%dma_start3A_415 : memref<128xi32, #tpu.memory_space<vmem>>) semaphore(%arg5 : memref<!tpu.dma_semaphore, #tpu.memory_space<semaphore_mem>>)
          %dma_start3A_419 = arith.constant 0 : i32
          %dma_start3A_420 = arith.constant 0 : i32
          %dma_start3A_421 = arith.constant 0 : i32
          %dma_start3A_422 = tpu.memref_slice %run_scoped3A_20[%rem3A_346, %dma_start3A_420, %dma_start3A_421] : memref<2x1024x32xf32, #tpu.memory_space<vmem>> -> memref<1x1024x32xf32, #tpu.memory_space<vmem>>
          %dma_start3A_423 = tpu.memref_squeeze %dma_start3A_422 : memref<1x1024x32xf32, #tpu.memory_space<vmem>> -> memref<1024x32xf32, #tpu.memory_space<vmem>>
          %dma_start3A_424 = arith.constant 512 : i32
          %dma_start3A_425 = arith.constant 0 : i32
          %dma_start3A_426 = tpu.memref_slice %dma_start3A_423[%dma_start3A_424, %dma_start3A_425] : memref<1024x32xf32, #tpu.memory_space<vmem>> -> memref<128x32xf32, #tpu.memory_space<vmem>>
          %dma_start3A_427 = arith.constant 0 : i32
          %dma_start3A_428 = arith.constant 0 : i32
          %dma_start3A_429 = tpu.memref_slice %run_scoped3A[%rem3A_344, %dma_start3A_427, %dma_start3A_428] : memref<2x1x1024xi32, #tpu.memory_space<vmem>> -> memref<1x1x1024xi32, #tpu.memory_space<vmem>>
          %dma_start3A_430 = tpu.memref_squeeze %dma_start3A_429 : memref<1x1x1024xi32, #tpu.memory_space<vmem>> -> memref<1x1024xi32, #tpu.memory_space<vmem>>
          %dma_start3A_431 = arith.constant 512 : i32
          %dma_start3A_432 = tpu.memref_slice %dma_start3A_430[%dma_start3A_419, %dma_start3A_431] : memref<1x1024xi32, #tpu.memory_space<vmem>> -> memref<1x128xi32, #tpu.memory_space<vmem>>
          %dma_start3A_433 = tpu.memref_squeeze %dma_start3A_432 : memref<1x128xi32, #tpu.memory_space<vmem>> -> memref<128xi32, #tpu.memory_space<vmem>>
          %dma_start3A_434 = arith.constant 0 : i32
          %dma_start3A_435 = arith.constant 0 : i32
          %dma_start3A_436 = tpu.memref_slice %arg2[%dma_start3A_434, %dma_start3A_435] : memref<1000000x32xf32, #tpu.memory_space<hbm>> -> memref<1000000x32xf32, #tpu.memory_space<hbm>>
          tpu.enqueue_indirect_dma source(%dma_start3A_436 : memref<1000000x32xf32, #tpu.memory_space<hbm>>) target(%dma_start3A_426 : memref<128x32xf32, #tpu.memory_space<vmem>>) offsets(%dma_start3A_433 : memref<128xi32, #tpu.memory_space<vmem>>) semaphore(%arg5 : memref<!tpu.dma_semaphore, #tpu.memory_space<semaphore_mem>>)
          %dma_start3A_437 = arith.constant 0 : i32
          %dma_start3A_438 = arith.constant 0 : i32
          %dma_start3A_439 = arith.constant 0 : i32
          %dma_start3A_440 = tpu.memref_slice %run_scoped3A_20[%rem3A_346, %dma_start3A_438, %dma_start3A_439] : memref<2x1024x32xf32, #tpu.memory_space<vmem>> -> memref<1x1024x32xf32, #tpu.memory_space<vmem>>
          %dma_start3A_441 = tpu.memref_squeeze %dma_start3A_440 : memref<1x1024x32xf32, #tpu.memory_space<vmem>> -> memref<1024x32xf32, #tpu.memory_space<vmem>>
          %dma_start3A_442 = arith.constant 640 : i32
          %dma_start3A_443 = arith.constant 0 : i32
          %dma_start3A_444 = tpu.memref_slice %dma_start3A_441[%dma_start3A_442, %dma_start3A_443] : memref<1024x32xf32, #tpu.memory_space<vmem>> -> memref<128x32xf32, #tpu.memory_space<vmem>>
          %dma_start3A_445 = arith.constant 0 : i32
          %dma_start3A_446 = arith.constant 0 : i32
          %dma_start3A_447 = tpu.memref_slice %run_scoped3A[%rem3A_344, %dma_start3A_445, %dma_start3A_446] : memref<2x1x1024xi32, #tpu.memory_space<vmem>> -> memref<1x1x1024xi32, #tpu.memory_space<vmem>>
          %dma_start3A_448 = tpu.memref_squeeze %dma_start3A_447 : memref<1x1x1024xi32, #tpu.memory_space<vmem>> -> memref<1x1024xi32, #tpu.memory_space<vmem>>
          %dma_start3A_449 = arith.constant 640 : i32
          %dma_start3A_450 = tpu.memref_slice %dma_start3A_448[%dma_start3A_437, %dma_start3A_449] : memref<1x1024xi32, #tpu.memory_space<vmem>> -> memref<1x128xi32, #tpu.memory_space<vmem>>
          %dma_start3A_451 = tpu.memref_squeeze %dma_start3A_450 : memref<1x128xi32, #tpu.memory_space<vmem>> -> memref<128xi32, #tpu.memory_space<vmem>>
          %dma_start3A_452 = arith.constant 0 : i32
          %dma_start3A_453 = arith.constant 0 : i32
          %dma_start3A_454 = tpu.memref_slice %arg2[%dma_start3A_452, %dma_start3A_453] : memref<1000000x32xf32, #tpu.memory_space<hbm>> -> memref<1000000x32xf32, #tpu.memory_space<hbm>>
          tpu.enqueue_indirect_dma source(%dma_start3A_454 : memref<1000000x32xf32, #tpu.memory_space<hbm>>) target(%dma_start3A_444 : memref<128x32xf32, #tpu.memory_space<vmem>>) offsets(%dma_start3A_451 : memref<128xi32, #tpu.memory_space<vmem>>) semaphore(%arg5 : memref<!tpu.dma_semaphore, #tpu.memory_space<semaphore_mem>>)
          %dma_start3A_455 = arith.constant 0 : i32
          %dma_start3A_456 = arith.constant 0 : i32
          %dma_start3A_457 = arith.constant 0 : i32
          %dma_start3A_458 = tpu.memref_slice %run_scoped3A_20[%rem3A_346, %dma_start3A_456, %dma_start3A_457] : memref<2x1024x32xf32, #tpu.memory_space<vmem>> -> memref<1x1024x32xf32, #tpu.memory_space<vmem>>
          %dma_start3A_459 = tpu.memref_squeeze %dma_start3A_458 : memref<1x1024x32xf32, #tpu.memory_space<vmem>> -> memref<1024x32xf32, #tpu.memory_space<vmem>>
          %dma_start3A_460 = arith.constant 768 : i32
          %dma_start3A_461 = arith.constant 0 : i32
          %dma_start3A_462 = tpu.memref_slice %dma_start3A_459[%dma_start3A_460, %dma_start3A_461] : memref<1024x32xf32, #tpu.memory_space<vmem>> -> memref<128x32xf32, #tpu.memory_space<vmem>>
          %dma_start3A_463 = arith.constant 0 : i32
          %dma_start3A_464 = arith.constant 0 : i32
          %dma_start3A_465 = tpu.memref_slice %run_scoped3A[%rem3A_344, %dma_start3A_463, %dma_start3A_464] : memref<2x1x1024xi32, #tpu.memory_space<vmem>> -> memref<1x1x1024xi32, #tpu.memory_space<vmem>>
          %dma_start3A_466 = tpu.memref_squeeze %dma_start3A_465 : memref<1x1x1024xi32, #tpu.memory_space<vmem>> -> memref<1x1024xi32, #tpu.memory_space<vmem>>
          %dma_start3A_467 = arith.constant 768 : i32
          %dma_start3A_468 = tpu.memref_slice %dma_start3A_466[%dma_start3A_455, %dma_start3A_467] : memref<1x1024xi32, #tpu.memory_space<vmem>> -> memref<1x128xi32, #tpu.memory_space<vmem>>
          %dma_start3A_469 = tpu.memref_squeeze %dma_start3A_468 : memref<1x128xi32, #tpu.memory_space<vmem>> -> memref<128xi32, #tpu.memory_space<vmem>>
          %dma_start3A_470 = arith.constant 0 : i32
          %dma_start3A_471 = arith.constant 0 : i32
          %dma_start3A_472 = tpu.memref_slice %arg2[%dma_start3A_470, %dma_start3A_471] : memref<1000000x32xf32, #tpu.memory_space<hbm>> -> memref<1000000x32xf32, #tpu.memory_space<hbm>>
          tpu.enqueue_indirect_dma source(%dma_start3A_472 : memref<1000000x32xf32, #tpu.memory_space<hbm>>) target(%dma_start3A_462 : memref<128x32xf32, #tpu.memory_space<vmem>>) offsets(%dma_start3A_469 : memref<128xi32, #tpu.memory_space<vmem>>) semaphore(%arg5 : memref<!tpu.dma_semaphore, #tpu.memory_space<semaphore_mem>>)
          %dma_start3A_473 = arith.constant 0 : i32
          %dma_start3A_474 = arith.constant 0 : i32
          %dma_start3A_475 = arith.constant 0 : i32
          %dma_start3A_476 = tpu.memref_slice %run_scoped3A_20[%rem3A_346, %dma_start3A_474, %dma_start3A_475] : memref<2x1024x32xf32, #tpu.memory_space<vmem>> -> memref<1x1024x32xf32, #tpu.memory_space<vmem>>
          %dma_start3A_477 = tpu.memref_squeeze %dma_start3A_476 : memref<1x1024x32xf32, #tpu.memory_space<vmem>> -> memref<1024x32xf32, #tpu.memory_space<vmem>>
          %dma_start3A_478 = arith.constant 896 : i32
          %dma_start3A_479 = arith.constant 0 : i32
          %dma_start3A_480 = tpu.memref_slice %dma_start3A_477[%dma_start3A_478, %dma_start3A_479] : memref<1024x32xf32, #tpu.memory_space<vmem>> -> memref<128x32xf32, #tpu.memory_space<vmem>>
          %dma_start3A_481 = arith.constant 0 : i32
          %dma_start3A_482 = arith.constant 0 : i32
          %dma_start3A_483 = tpu.memref_slice %run_scoped3A[%rem3A_344, %dma_start3A_481, %dma_start3A_482] : memref<2x1x1024xi32, #tpu.memory_space<vmem>> -> memref<1x1x1024xi32, #tpu.memory_space<vmem>>
          %dma_start3A_484 = tpu.memref_squeeze %dma_start3A_483 : memref<1x1x1024xi32, #tpu.memory_space<vmem>> -> memref<1x1024xi32, #tpu.memory_space<vmem>>
          %dma_start3A_485 = arith.constant 896 : i32
          %dma_start3A_486 = tpu.memref_slice %dma_start3A_484[%dma_start3A_473, %dma_start3A_485] : memref<1x1024xi32, #tpu.memory_space<vmem>> -> memref<1x128xi32, #tpu.memory_space<vmem>>
          %dma_start3A_487 = tpu.memref_squeeze %dma_start3A_486 : memref<1x128xi32, #tpu.memory_space<vmem>> -> memref<128xi32, #tpu.memory_space<vmem>>
          %dma_start3A_488 = arith.constant 0 : i32
          %dma_start3A_489 = arith.constant 0 : i32
          %dma_start3A_490 = tpu.memref_slice %arg2[%dma_start3A_488, %dma_start3A_489] : memref<1000000x32xf32, #tpu.memory_space<hbm>> -> memref<1000000x32xf32, #tpu.memory_space<hbm>>
          tpu.enqueue_indirect_dma source(%dma_start3A_490 : memref<1000000x32xf32, #tpu.memory_space<hbm>>) target(%dma_start3A_480 : memref<128x32xf32, #tpu.memory_space<vmem>>) offsets(%dma_start3A_487 : memref<128xi32, #tpu.memory_space<vmem>>) semaphore(%arg5 : memref<!tpu.dma_semaphore, #tpu.memory_space<semaphore_mem>>)
          %dma_wait3A = arith.constant 0 : i32
          %dma_wait3A_491 = arith.constant 0 : i32
          %dma_wait3A_492 = arith.constant 0 : i32
          %dma_wait3A_493 = tpu.memref_slice %run_scoped3A_20[%rem3A_346, %dma_wait3A_491, %dma_wait3A_492] : memref<2x1024x32xf32, #tpu.memory_space<vmem>> -> memref<1x1024x32xf32, #tpu.memory_space<vmem>>
          %dma_wait3A_494 = tpu.memref_squeeze %dma_wait3A_493 : memref<1x1024x32xf32, #tpu.memory_space<vmem>> -> memref<1024x32xf32, #tpu.memory_space<vmem>>
          %dma_wait3A_495 = arith.constant 0 : i32
          %dma_wait3A_496 = arith.constant 0 : i32
          %dma_wait3A_497 = tpu.memref_slice %dma_wait3A_494[%dma_wait3A_495, %dma_wait3A_496] : memref<1024x32xf32, #tpu.memory_space<vmem>> -> memref<128x32xf32, #tpu.memory_space<vmem>>
          %dma_wait3A_498 = arith.constant 0 : i32
          %dma_wait3A_499 = arith.constant 0 : i32
          %dma_wait3A_500 = tpu.memref_slice %run_scoped3A[%rem3A_344, %dma_wait3A_498, %dma_wait3A_499] : memref<2x1x1024xi32, #tpu.memory_space<vmem>> -> memref<1x1x1024xi32, #tpu.memory_space<vmem>>
          %dma_wait3A_501 = tpu.memref_squeeze %dma_wait3A_500 : memref<1x1x1024xi32, #tpu.memory_space<vmem>> -> memref<1x1024xi32, #tpu.memory_space<vmem>>
          %dma_wait3A_502 = arith.constant 0 : i32
          %dma_wait3A_503 = tpu.memref_slice %dma_wait3A_501[%dma_wait3A, %dma_wait3A_502] : memref<1x1024xi32, #tpu.memory_space<vmem>> -> memref<1x128xi32, #tpu.memory_space<vmem>>
          %dma_wait3A_504 = tpu.memref_squeeze %dma_wait3A_503 : memref<1x128xi32, #tpu.memory_space<vmem>> -> memref<128xi32, #tpu.memory_space<vmem>>
          %dma_wait3A_505 = arith.constant 0 : i32
          %dma_wait3A_506 = arith.constant 0 : i32
          %dma_wait3A_507 = tpu.memref_slice %arg2[%dma_wait3A_505, %dma_wait3A_506] : memref<1000000x32xf32, #tpu.memory_space<hbm>> -> memref<1000000x32xf32, #tpu.memory_space<hbm>>
          tpu.wait_indirect_dma semaphore(%arg5 : memref<!tpu.dma_semaphore, #tpu.memory_space<semaphore_mem>>) src(%dma_wait3A_507 : memref<1000000x32xf32, #tpu.memory_space<hbm>>) dst(%dma_wait3A_497 : memref<128x32xf32, #tpu.memory_space<vmem>>)
          %dma_wait3A_508 = arith.constant 0 : i32
          %dma_wait3A_509 = arith.constant 0 : i32
          %dma_wait3A_510 = arith.constant 0 : i32
          %dma_wait3A_511 = tpu.memref_slice %run_scoped3A_20[%rem3A_346, %dma_wait3A_509, %dma_wait3A_510] : memref<2x1024x32xf32, #tpu.memory_space<vmem>> -> memref<1x1024x32xf32, #tpu.memory_space<vmem>>
          %dma_wait3A_512 = tpu.memref_squeeze %dma_wait3A_511 : memref<1x1024x32xf32, #tpu.memory_space<vmem>> -> memref<1024x32xf32, #tpu.memory_space<vmem>>
          %dma_wait3A_513 = arith.constant 128 : i32
          %dma_wait3A_514 = arith.constant 0 : i32
          %dma_wait3A_515 = tpu.memref_slice %dma_wait3A_512[%dma_wait3A_513, %dma_wait3A_514] : memref<1024x32xf32, #tpu.memory_space<vmem>> -> memref<128x32xf32, #tpu.memory_space<vmem>>
          %dma_wait3A_516 = arith.constant 0 : i32
          %dma_wait3A_517 = arith.constant 0 : i32
          %dma_wait3A_518 = tpu.memref_slice %run_scoped3A[%rem3A_344, %dma_wait3A_516, %dma_wait3A_517] : memref<2x1x1024xi32, #tpu.memory_space<vmem>> -> memref<1x1x1024xi32, #tpu.memory_space<vmem>>
          %dma_wait3A_519 = tpu.memref_squeeze %dma_wait3A_518 : memref<1x1x1024xi32, #tpu.memory_space<vmem>> -> memref<1x1024xi32, #tpu.memory_space<vmem>>
          %dma_wait3A_520 = arith.constant 128 : i32
          %dma_wait3A_521 = tpu.memref_slice %dma_wait3A_519[%dma_wait3A_508, %dma_wait3A_520] : memref<1x1024xi32, #tpu.memory_space<vmem>> -> memref<1x128xi32, #tpu.memory_space<vmem>>
          %dma_wait3A_522 = tpu.memref_squeeze %dma_wait3A_521 : memref<1x128xi32, #tpu.memory_space<vmem>> -> memref<128xi32, #tpu.memory_space<vmem>>
          %dma_wait3A_523 = arith.constant 0 : i32
          %dma_wait3A_524 = arith.constant 0 : i32
          %dma_wait3A_525 = tpu.memref_slice %arg2[%dma_wait3A_523, %dma_wait3A_524] : memref<1000000x32xf32, #tpu.memory_space<hbm>> -> memref<1000000x32xf32, #tpu.memory_space<hbm>>
          tpu.wait_indirect_dma semaphore(%arg5 : memref<!tpu.dma_semaphore, #tpu.memory_space<semaphore_mem>>) src(%dma_wait3A_525 : memref<1000000x32xf32, #tpu.memory_space<hbm>>) dst(%dma_wait3A_515 : memref<128x32xf32, #tpu.memory_space<vmem>>)
          %dma_wait3A_526 = arith.constant 0 : i32
          %dma_wait3A_527 = arith.constant 0 : i32
          %dma_wait3A_528 = arith.constant 0 : i32
          %dma_wait3A_529 = tpu.memref_slice %run_scoped3A_20[%rem3A_346, %dma_wait3A_527, %dma_wait3A_528] : memref<2x1024x32xf32, #tpu.memory_space<vmem>> -> memref<1x1024x32xf32, #tpu.memory_space<vmem>>
          %dma_wait3A_530 = tpu.memref_squeeze %dma_wait3A_529 : memref<1x1024x32xf32, #tpu.memory_space<vmem>> -> memref<1024x32xf32, #tpu.memory_space<vmem>>
          %dma_wait3A_531 = arith.constant 256 : i32
          %dma_wait3A_532 = arith.constant 0 : i32
          %dma_wait3A_533 = tpu.memref_slice %dma_wait3A_530[%dma_wait3A_531, %dma_wait3A_532] : memref<1024x32xf32, #tpu.memory_space<vmem>> -> memref<128x32xf32, #tpu.memory_space<vmem>>
          %dma_wait3A_534 = arith.constant 0 : i32
          %dma_wait3A_535 = arith.constant 0 : i32
          %dma_wait3A_536 = tpu.memref_slice %run_scoped3A[%rem3A_344, %dma_wait3A_534, %dma_wait3A_535] : memref<2x1x1024xi32, #tpu.memory_space<vmem>> -> memref<1x1x1024xi32, #tpu.memory_space<vmem>>
          %dma_wait3A_537 = tpu.memref_squeeze %dma_wait3A_536 : memref<1x1x1024xi32, #tpu.memory_space<vmem>> -> memref<1x1024xi32, #tpu.memory_space<vmem>>
          %dma_wait3A_538 = arith.constant 256 : i32
          %dma_wait3A_539 = tpu.memref_slice %dma_wait3A_537[%dma_wait3A_526, %dma_wait3A_538] : memref<1x1024xi32, #tpu.memory_space<vmem>> -> memref<1x128xi32, #tpu.memory_space<vmem>>
          %dma_wait3A_540 = tpu.memref_squeeze %dma_wait3A_539 : memref<1x128xi32, #tpu.memory_space<vmem>> -> memref<128xi32, #tpu.memory_space<vmem>>
          %dma_wait3A_541 = arith.constant 0 : i32
          %dma_wait3A_542 = arith.constant 0 : i32
          %dma_wait3A_543 = tpu.memref_slice %arg2[%dma_wait3A_541, %dma_wait3A_542] : memref<1000000x32xf32, #tpu.memory_space<hbm>> -> memref<1000000x32xf32, #tpu.memory_space<hbm>>
          tpu.wait_indirect_dma semaphore(%arg5 : memref<!tpu.dma_semaphore, #tpu.memory_space<semaphore_mem>>) src(%dma_wait3A_543 : memref<1000000x32xf32, #tpu.memory_space<hbm>>) dst(%dma_wait3A_533 : memref<128x32xf32, #tpu.memory_space<vmem>>)
          %dma_wait3A_544 = arith.constant 0 : i32
          %dma_wait3A_545 = arith.constant 0 : i32
          %dma_wait3A_546 = arith.constant 0 : i32
          %dma_wait3A_547 = tpu.memref_slice %run_scoped3A_20[%rem3A_346, %dma_wait3A_545, %dma_wait3A_546] : memref<2x1024x32xf32, #tpu.memory_space<vmem>> -> memref<1x1024x32xf32, #tpu.memory_space<vmem>>
          %dma_wait3A_548 = tpu.memref_squeeze %dma_wait3A_547 : memref<1x1024x32xf32, #tpu.memory_space<vmem>> -> memref<1024x32xf32, #tpu.memory_space<vmem>>
          %dma_wait3A_549 = arith.constant 384 : i32
          %dma_wait3A_550 = arith.constant 0 : i32
          %dma_wait3A_551 = tpu.memref_slice %dma_wait3A_548[%dma_wait3A_549, %dma_wait3A_550] : memref<1024x32xf32, #tpu.memory_space<vmem>> -> memref<128x32xf32, #tpu.memory_space<vmem>>
          %dma_wait3A_552 = arith.constant 0 : i32
          %dma_wait3A_553 = arith.constant 0 : i32
          %dma_wait3A_554 = tpu.memref_slice %run_scoped3A[%rem3A_344, %dma_wait3A_552, %dma_wait3A_553] : memref<2x1x1024xi32, #tpu.memory_space<vmem>> -> memref<1x1x1024xi32, #tpu.memory_space<vmem>>
          %dma_wait3A_555 = tpu.memref_squeeze %dma_wait3A_554 : memref<1x1x1024xi32, #tpu.memory_space<vmem>> -> memref<1x1024xi32, #tpu.memory_space<vmem>>
          %dma_wait3A_556 = arith.constant 384 : i32
          %dma_wait3A_557 = tpu.memref_slice %dma_wait3A_555[%dma_wait3A_544, %dma_wait3A_556] : memref<1x1024xi32, #tpu.memory_space<vmem>> -> memref<1x128xi32, #tpu.memory_space<vmem>>
          %dma_wait3A_558 = tpu.memref_squeeze %dma_wait3A_557 : memref<1x128xi32, #tpu.memory_space<vmem>> -> memref<128xi32, #tpu.memory_space<vmem>>
          %dma_wait3A_559 = arith.constant 0 : i32
          %dma_wait3A_560 = arith.constant 0 : i32
          %dma_wait3A_561 = tpu.memref_slice %arg2[%dma_wait3A_559, %dma_wait3A_560] : memref<1000000x32xf32, #tpu.memory_space<hbm>> -> memref<1000000x32xf32, #tpu.memory_space<hbm>>
          tpu.wait_indirect_dma semaphore(%arg5 : memref<!tpu.dma_semaphore, #tpu.memory_space<semaphore_mem>>) src(%dma_wait3A_561 : memref<1000000x32xf32, #tpu.memory_space<hbm>>) dst(%dma_wait3A_551 : memref<128x32xf32, #tpu.memory_space<vmem>>)
          %dma_wait3A_562 = arith.constant 0 : i32
          %dma_wait3A_563 = arith.constant 0 : i32
          %dma_wait3A_564 = arith.constant 0 : i32
          %dma_wait3A_565 = tpu.memref_slice %run_scoped3A_20[%rem3A_346, %dma_wait3A_563, %dma_wait3A_564] : memref<2x1024x32xf32, #tpu.memory_space<vmem>> -> memref<1x1024x32xf32, #tpu.memory_space<vmem>>
          %dma_wait3A_566 = tpu.memref_squeeze %dma_wait3A_565 : memref<1x1024x32xf32, #tpu.memory_space<vmem>> -> memref<1024x32xf32, #tpu.memory_space<vmem>>
          %dma_wait3A_567 = arith.constant 512 : i32
          %dma_wait3A_568 = arith.constant 0 : i32
          %dma_wait3A_569 = tpu.memref_slice %dma_wait3A_566[%dma_wait3A_567, %dma_wait3A_568] : memref<1024x32xf32, #tpu.memory_space<vmem>> -> memref<128x32xf32, #tpu.memory_space<vmem>>
          %dma_wait3A_570 = arith.constant 0 : i32
          %dma_wait3A_571 = arith.constant 0 : i32
          %dma_wait3A_572 = tpu.memref_slice %run_scoped3A[%rem3A_344, %dma_wait3A_570, %dma_wait3A_571] : memref<2x1x1024xi32, #tpu.memory_space<vmem>> -> memref<1x1x1024xi32, #tpu.memory_space<vmem>>
          %dma_wait3A_573 = tpu.memref_squeeze %dma_wait3A_572 : memref<1x1x1024xi32, #tpu.memory_space<vmem>> -> memref<1x1024xi32, #tpu.memory_space<vmem>>
          %dma_wait3A_574 = arith.constant 512 : i32
          %dma_wait3A_575 = tpu.memref_slice %dma_wait3A_573[%dma_wait3A_562, %dma_wait3A_574] : memref<1x1024xi32, #tpu.memory_space<vmem>> -> memref<1x128xi32, #tpu.memory_space<vmem>>
          %dma_wait3A_576 = tpu.memref_squeeze %dma_wait3A_575 : memref<1x128xi32, #tpu.memory_space<vmem>> -> memref<128xi32, #tpu.memory_space<vmem>>
          %dma_wait3A_577 = arith.constant 0 : i32
          %dma_wait3A_578 = arith.constant 0 : i32
          %dma_wait3A_579 = tpu.memref_slice %arg2[%dma_wait3A_577, %dma_wait3A_578] : memref<1000000x32xf32, #tpu.memory_space<hbm>> -> memref<1000000x32xf32, #tpu.memory_space<hbm>>
          tpu.wait_indirect_dma semaphore(%arg5 : memref<!tpu.dma_semaphore, #tpu.memory_space<semaphore_mem>>) src(%dma_wait3A_579 : memref<1000000x32xf32, #tpu.memory_space<hbm>>) dst(%dma_wait3A_569 : memref<128x32xf32, #tpu.memory_space<vmem>>)
          %dma_wait3A_580 = arith.constant 0 : i32
          %dma_wait3A_581 = arith.constant 0 : i32
          %dma_wait3A_582 = arith.constant 0 : i32
          %dma_wait3A_583 = tpu.memref_slice %run_scoped3A_20[%rem3A_346, %dma_wait3A_581, %dma_wait3A_582] : memref<2x1024x32xf32, #tpu.memory_space<vmem>> -> memref<1x1024x32xf32, #tpu.memory_space<vmem>>
          %dma_wait3A_584 = tpu.memref_squeeze %dma_wait3A_583 : memref<1x1024x32xf32, #tpu.memory_space<vmem>> -> memref<1024x32xf32, #tpu.memory_space<vmem>>
          %dma_wait3A_585 = arith.constant 640 : i32
          %dma_wait3A_586 = arith.constant 0 : i32
          %dma_wait3A_587 = tpu.memref_slice %dma_wait3A_584[%dma_wait3A_585, %dma_wait3A_586] : memref<1024x32xf32, #tpu.memory_space<vmem>> -> memref<128x32xf32, #tpu.memory_space<vmem>>
          %dma_wait3A_588 = arith.constant 0 : i32
          %dma_wait3A_589 = arith.constant 0 : i32
          %dma_wait3A_590 = tpu.memref_slice %run_scoped3A[%rem3A_344, %dma_wait3A_588, %dma_wait3A_589] : memref<2x1x1024xi32, #tpu.memory_space<vmem>> -> memref<1x1x1024xi32, #tpu.memory_space<vmem>>
          %dma_wait3A_591 = tpu.memref_squeeze %dma_wait3A_590 : memref<1x1x1024xi32, #tpu.memory_space<vmem>> -> memref<1x1024xi32, #tpu.memory_space<vmem>>
          %dma_wait3A_592 = arith.constant 640 : i32
          %dma_wait3A_593 = tpu.memref_slice %dma_wait3A_591[%dma_wait3A_580, %dma_wait3A_592] : memref<1x1024xi32, #tpu.memory_space<vmem>> -> memref<1x128xi32, #tpu.memory_space<vmem>>
          %dma_wait3A_594 = tpu.memref_squeeze %dma_wait3A_593 : memref<1x128xi32, #tpu.memory_space<vmem>> -> memref<128xi32, #tpu.memory_space<vmem>>
          %dma_wait3A_595 = arith.constant 0 : i32
          %dma_wait3A_596 = arith.constant 0 : i32
          %dma_wait3A_597 = tpu.memref_slice %arg2[%dma_wait3A_595, %dma_wait3A_596] : memref<1000000x32xf32, #tpu.memory_space<hbm>> -> memref<1000000x32xf32, #tpu.memory_space<hbm>>
          tpu.wait_indirect_dma semaphore(%arg5 : memref<!tpu.dma_semaphore, #tpu.memory_space<semaphore_mem>>) src(%dma_wait3A_597 : memref<1000000x32xf32, #tpu.memory_space<hbm>>) dst(%dma_wait3A_587 : memref<128x32xf32, #tpu.memory_space<vmem>>)
          %dma_wait3A_598 = arith.constant 0 : i32
          %dma_wait3A_599 = arith.constant 0 : i32
          %dma_wait3A_600 = arith.constant 0 : i32
          %dma_wait3A_601 = tpu.memref_slice %run_scoped3A_20[%rem3A_346, %dma_wait3A_599, %dma_wait3A_600] : memref<2x1024x32xf32, #tpu.memory_space<vmem>> -> memref<1x1024x32xf32, #tpu.memory_space<vmem>>
          %dma_wait3A_602 = tpu.memref_squeeze %dma_wait3A_601 : memref<1x1024x32xf32, #tpu.memory_space<vmem>> -> memref<1024x32xf32, #tpu.memory_space<vmem>>
          %dma_wait3A_603 = arith.constant 768 : i32
          %dma_wait3A_604 = arith.constant 0 : i32
          %dma_wait3A_605 = tpu.memref_slice %dma_wait3A_602[%dma_wait3A_603, %dma_wait3A_604] : memref<1024x32xf32, #tpu.memory_space<vmem>> -> memref<128x32xf32, #tpu.memory_space<vmem>>
          %dma_wait3A_606 = arith.constant 0 : i32
          %dma_wait3A_607 = arith.constant 0 : i32
          %dma_wait3A_608 = tpu.memref_slice %run_scoped3A[%rem3A_344, %dma_wait3A_606, %dma_wait3A_607] : memref<2x1x1024xi32, #tpu.memory_space<vmem>> -> memref<1x1x1024xi32, #tpu.memory_space<vmem>>
          %dma_wait3A_609 = tpu.memref_squeeze %dma_wait3A_608 : memref<1x1x1024xi32, #tpu.memory_space<vmem>> -> memref<1x1024xi32, #tpu.memory_space<vmem>>
          %dma_wait3A_610 = arith.constant 768 : i32
          %dma_wait3A_611 = tpu.memref_slice %dma_wait3A_609[%dma_wait3A_598, %dma_wait3A_610] : memref<1x1024xi32, #tpu.memory_space<vmem>> -> memref<1x128xi32, #tpu.memory_space<vmem>>
          %dma_wait3A_612 = tpu.memref_squeeze %dma_wait3A_611 : memref<1x128xi32, #tpu.memory_space<vmem>> -> memref<128xi32, #tpu.memory_space<vmem>>
          %dma_wait3A_613 = arith.constant 0 : i32
          %dma_wait3A_614 = arith.constant 0 : i32
          %dma_wait3A_615 = tpu.memref_slice %arg2[%dma_wait3A_613, %dma_wait3A_614] : memref<1000000x32xf32, #tpu.memory_space<hbm>> -> memref<1000000x32xf32, #tpu.memory_space<hbm>>
          tpu.wait_indirect_dma semaphore(%arg5 : memref<!tpu.dma_semaphore, #tpu.memory_space<semaphore_mem>>) src(%dma_wait3A_615 : memref<1000000x32xf32, #tpu.memory_space<hbm>>) dst(%dma_wait3A_605 : memref<128x32xf32, #tpu.memory_space<vmem>>)
          %dma_wait3A_616 = arith.constant 0 : i32
          %dma_wait3A_617 = arith.constant 0 : i32
          %dma_wait3A_618 = arith.constant 0 : i32
          %dma_wait3A_619 = tpu.memref_slice %run_scoped3A_20[%rem3A_346, %dma_wait3A_617, %dma_wait3A_618] : memref<2x1024x32xf32, #tpu.memory_space<vmem>> -> memref<1x1024x32xf32, #tpu.memory_space<vmem>>
          %dma_wait3A_620 = tpu.memref_squeeze %dma_wait3A_619 : memref<1x1024x32xf32, #tpu.memory_space<vmem>> -> memref<1024x32xf32, #tpu.memory_space<vmem>>
          %dma_wait3A_621 = arith.constant 896 : i32
          %dma_wait3A_622 = arith.constant 0 : i32
          %dma_wait3A_623 = tpu.memref_slice %dma_wait3A_620[%dma_wait3A_621, %dma_wait3A_622] : memref<1024x32xf32, #tpu.memory_space<vmem>> -> memref<128x32xf32, #tpu.memory_space<vmem>>
          %dma_wait3A_624 = arith.constant 0 : i32
          %dma_wait3A_625 = arith.constant 0 : i32
          %dma_wait3A_626 = tpu.memref_slice %run_scoped3A[%rem3A_344, %dma_wait3A_624, %dma_wait3A_625] : memref<2x1x1024xi32, #tpu.memory_space<vmem>> -> memref<1x1x1024xi32, #tpu.memory_space<vmem>>
          %dma_wait3A_627 = tpu.memref_squeeze %dma_wait3A_626 : memref<1x1x1024xi32, #tpu.memory_space<vmem>> -> memref<1x1024xi32, #tpu.memory_space<vmem>>
          %dma_wait3A_628 = arith.constant 896 : i32
          %dma_wait3A_629 = tpu.memref_slice %dma_wait3A_627[%dma_wait3A_616, %dma_wait3A_628] : memref<1x1024xi32, #tpu.memory_space<vmem>> -> memref<1x128xi32, #tpu.memory_space<vmem>>
          %dma_wait3A_630 = tpu.memref_squeeze %dma_wait3A_629 : memref<1x128xi32, #tpu.memory_space<vmem>> -> memref<128xi32, #tpu.memory_space<vmem>>
          %dma_wait3A_631 = arith.constant 0 : i32
          %dma_wait3A_632 = arith.constant 0 : i32
          %dma_wait3A_633 = tpu.memref_slice %arg2[%dma_wait3A_631, %dma_wait3A_632] : memref<1000000x32xf32, #tpu.memory_space<hbm>> -> memref<1000000x32xf32, #tpu.memory_space<hbm>>
          tpu.wait_indirect_dma semaphore(%arg5 : memref<!tpu.dma_semaphore, #tpu.memory_space<semaphore_mem>>) src(%dma_wait3A_633 : memref<1000000x32xf32, #tpu.memory_space<hbm>>) dst(%dma_wait3A_623 : memref<128x32xf32, #tpu.memory_space<vmem>>)
          "tpu.trace_stop"() : () -> ()
          %ne3A_634 = arith.cmpi ne, %add3A_228, %add3A_264 : i32
          %ne3A_635 = arith.cmpi ne, %add3A_230, %add3A_266 : i32
          %or3A_636 = arith.constant false
          %or3A_637 = arith.ori %or3A_636, %ne3A_634 : i1
          %or3A_638 = arith.ori %or3A_637, %ne3A_635 : i1
          %or3A_639 = arith.ori %or3A_638, %eq3A_227 : i1
          %convert_element_type3A_640 = arith.extui %or3A_639 : i1 to i32
          %cond3A_641 = arith.constant 0 : i32
          %cond3A_642 = arith.cmpi ne, %convert_element_type3A_640, %cond3A_641 : i32
          scf.if %cond3A_642 {
          } else {
          }
          %and3A_643 = arith.constant false
          %and3A_644 = arith.andi %or3A_639, %and3A_643 : i1
          %mul3A_645 = arith.constant 16 : i32
          %mul3A_646 = arith.muli %add3A_228, %mul3A_645 : i32
          %add3A_647 = arith.addi %mul3A_646, %add3A_230 : i32
          %mul3A_648 = arith.constant 16 : i32
          %mul3A_649 = arith.muli %add3A_264, %mul3A_648 : i32
          %add3A_650 = arith.addi %mul3A_649, %add3A_266 : i32
          %ne3A_651 = arith.cmpi ne, %add3A_647, %add3A_650 : i32
          %or3A_652 = arith.constant false
          %or3A_653 = arith.ori %or3A_652, %ne3A_651 : i1
          %or3A_654 = arith.constant false
          %or3A_655 = arith.ori %or3A_653, %or3A_654 : i1
          %or3A_656 = arith.ori %or3A_655, %eq3A_227 : i1
          %convert_element_type3A_657 = arith.extui %or3A_656 : i1 to i32
          %cond3A_658 = arith.constant 0 : i32
          %cond3A_659 = arith.cmpi ne, %convert_element_type3A_657, %cond3A_658 : i32
          scf.if %cond3A_659 {
            "tpu.trace_start"() <{level = 10 : i32, message = "ep_copy_out"}> : () -> ()
            %rem3A_723 = arith.constant 2 : i32
            %rem3A_724 = arith.remui %while3A_215, %rem3A_723 : i32
            %mul3A_725 = arith.constant 16 : i32
            %mul3A_726 = arith.muli %add3A_228, %mul3A_725 : i32
            %add3A_727 = arith.addi %mul3A_726, %add3A_230 : i32
            %mul3A_728 = arith.constant 1024 : i32
            %mul3A_729 = arith.muli %mul3A_728, %add3A_727 : i32
            %dma_start3A_730 = arith.constant 0 : i32
            %dma_start3A_731 = arith.constant 0 : i32
            %dma_start3A_732 = tpu.memref_slice %run_scoped3A_20[%rem3A_724, %dma_start3A_730, %dma_start3A_731] : memref<2x1024x32xf32, #tpu.memory_space<vmem>> -> memref<1x1024x32xf32, #tpu.memory_space<vmem>>
            %dma_start3A_733 = tpu.memref_squeeze %dma_start3A_732 : memref<1x1024x32xf32, #tpu.memory_space<vmem>> -> memref<1024x32xf32, #tpu.memory_space<vmem>>
            %dma_start3A_734 = arith.constant 0 : i32
            %dma_start3A_735 = tpu.memref_slice %arg4[%mul3A_729, %dma_start3A_734] : memref<819200x32xf32, #tpu.memory_space<hbm>> -> memref<1024x32xf32, #tpu.memory_space<hbm>>
            %dma_start3A_736 = tpu.memref_slice %run_scoped3A_21[%rem3A_724] : memref<2x!tpu.dma_semaphore, #tpu.memory_space<semaphore_mem>> -> memref<1x!tpu.dma_semaphore, #tpu.memory_space<semaphore_mem>>
            %dma_start3A_737 = tpu.memref_squeeze %dma_start3A_736 : memref<1x!tpu.dma_semaphore, #tpu.memory_space<semaphore_mem>> -> memref<!tpu.dma_semaphore, #tpu.memory_space<semaphore_mem>>
            %dma_start3A_738 = arith.constant 0 : i32
            %dma_start3A_739 = tpu.memref_slice %arg4[%mul3A_729, %dma_start3A_738] : memref<819200x32xf32, #tpu.memory_space<hbm>> -> memref<1024x32xf32, #tpu.memory_space<hbm>>
            %dma_start3A_740 = arith.constant 0 : i32
            %dma_start3A_741 = arith.constant 0 : i32
            %dma_start3A_742 = tpu.memref_slice %run_scoped3A_20[%rem3A_724, %dma_start3A_740, %dma_start3A_741] : memref<2x1024x32xf32, #tpu.memory_space<vmem>> -> memref<1x1024x32xf32, #tpu.memory_space<vmem>>
            %dma_start3A_743 = tpu.memref_squeeze %dma_start3A_742 : memref<1x1024x32xf32, #tpu.memory_space<vmem>> -> memref<1024x32xf32, #tpu.memory_space<vmem>>
            tpu.enqueue_dma source(%dma_start3A_743 : memref<1024x32xf32, #tpu.memory_space<vmem>>) target(%dma_start3A_739 : memref<1024x32xf32, #tpu.memory_space<hbm>>) target_semaphore(%dma_start3A_737 : memref<!tpu.dma_semaphore, #tpu.memory_space<semaphore_mem>>)
            "tpu.trace_stop"() : () -> ()
          } else {
          }
          %and3A_660 = arith.constant true
          %and3A_661 = arith.andi %or3A_656, %and3A_660 : i1
          %add3A_662 = arith.constant 1 : i32
          %add3A_663 = arith.addi %while3A_215, %add3A_662 : i32
          %select_n3A_664 = arith.select %and3A_661, %add3A_663, %while3A_215 : i32
          %ne3A_665 = arith.cmpi ne, %add3A_228, %add3A_247 : i32
          %ne3A_666 = arith.cmpi ne, %add3A_230, %add3A_249 : i32
          %or3A_667 = arith.constant false
          %or3A_668 = arith.ori %or3A_667, %ne3A_665 : i1
          %or3A_669 = arith.ori %or3A_668, %ne3A_666 : i1
          %not3A_670 = arith.constant true
          %not3A_671 = arith.xori %eq3A_224, %not3A_670 : i1
          %and3A_672 = arith.andi %or3A_669, %not3A_671 : i1
          %convert_element_type3A_673 = arith.extui %and3A_672 : i1 to i32
          %cond3A_674 = arith.constant 0 : i32
          %cond3A_675 = arith.cmpi ne, %convert_element_type3A_673, %cond3A_674 : i32
          scf.if %cond3A_675 {
          } else {
          }
          %and3A_676 = arith.constant false
          %and3A_677 = arith.andi %and3A_672, %and3A_676 : i1
          %mul3A_678 = arith.constant 16 : i32
          %mul3A_679 = arith.muli %add3A_228, %mul3A_678 : i32
          %add3A_680 = arith.addi %mul3A_679, %add3A_230 : i32
          %mul3A_681 = arith.constant 16 : i32
          %mul3A_682 = arith.muli %add3A_247, %mul3A_681 : i32
          %add3A_683 = arith.addi %mul3A_682, %add3A_249 : i32
          %ne3A_684 = arith.cmpi ne, %add3A_680, %add3A_683 : i32
          %or3A_685 = arith.constant false
          %or3A_686 = arith.ori %or3A_685, %ne3A_684 : i1
          %or3A_687 = arith.constant false
          %or3A_688 = arith.ori %or3A_686, %or3A_687 : i1
          %not3A_689 = arith.constant true
          %not3A_690 = arith.xori %eq3A_224, %not3A_689 : i1
          %and3A_691 = arith.andi %or3A_688, %not3A_690 : i1
          %convert_element_type3A_692 = arith.extui %and3A_691 : i1 to i32
          %cond3A_693 = arith.constant 0 : i32
          %cond3A_694 = arith.cmpi ne, %convert_element_type3A_692, %cond3A_693 : i32
          scf.if %cond3A_694 {
            "tpu.trace_start"() <{level = 10 : i32, message = "ep_wait_out"}> : () -> ()
            %rem3A_723 = arith.constant 2 : i32
            %rem3A_724 = arith.remui %while3A_216, %rem3A_723 : i32
            %mul3A_725 = arith.constant 16 : i32
            %mul3A_726 = arith.muli %add3A_247, %mul3A_725 : i32
            %add3A_727 = arith.addi %mul3A_726, %add3A_249 : i32
            %mul3A_728 = arith.constant 1024 : i32
            %mul3A_729 = arith.muli %mul3A_728, %add3A_727 : i32
            %dma_wait3A_730 = arith.constant 0 : i32
            %dma_wait3A_731 = arith.constant 0 : i32
            %dma_wait3A_732 = tpu.memref_slice %run_scoped3A_20[%rem3A_724, %dma_wait3A_730, %dma_wait3A_731] : memref<2x1024x32xf32, #tpu.memory_space<vmem>> -> memref<1x1024x32xf32, #tpu.memory_space<vmem>>
            %dma_wait3A_733 = tpu.memref_squeeze %dma_wait3A_732 : memref<1x1024x32xf32, #tpu.memory_space<vmem>> -> memref<1024x32xf32, #tpu.memory_space<vmem>>
            %dma_wait3A_734 = arith.constant 0 : i32
            %dma_wait3A_735 = tpu.memref_slice %arg4[%mul3A_729, %dma_wait3A_734] : memref<819200x32xf32, #tpu.memory_space<hbm>> -> memref<1024x32xf32, #tpu.memory_space<hbm>>
            %dma_wait3A_736 = tpu.memref_slice %run_scoped3A_21[%rem3A_724] : memref<2x!tpu.dma_semaphore, #tpu.memory_space<semaphore_mem>> -> memref<1x!tpu.dma_semaphore, #tpu.memory_space<semaphore_mem>>
            %dma_wait3A_737 = tpu.memref_squeeze %dma_wait3A_736 : memref<1x!tpu.dma_semaphore, #tpu.memory_space<semaphore_mem>> -> memref<!tpu.dma_semaphore, #tpu.memory_space<semaphore_mem>>
            %dma_wait3A_738 = arith.constant 0 : i32
            %dma_wait3A_739 = tpu.memref_slice %arg4[%mul3A_729, %dma_wait3A_738] : memref<819200x32xf32, #tpu.memory_space<hbm>> -> memref<1024x32xf32, #tpu.memory_space<hbm>>
            %dma_wait3A_740 = arith.constant 0 : i32
            %dma_wait3A_741 = arith.constant 0 : i32
            %dma_wait3A_742 = tpu.memref_slice %run_scoped3A_20[%rem3A_724, %dma_wait3A_740, %dma_wait3A_741] : memref<2x1024x32xf32, #tpu.memory_space<vmem>> -> memref<1x1024x32xf32, #tpu.memory_space<vmem>>
            %dma_wait3A_743 = tpu.memref_squeeze %dma_wait3A_742 : memref<1x1024x32xf32, #tpu.memory_space<vmem>> -> memref<1024x32xf32, #tpu.memory_space<vmem>>
            tpu.wait_dma2 semaphore(%dma_wait3A_737 : memref<!tpu.dma_semaphore, #tpu.memory_space<semaphore_mem>>) src(%dma_wait3A_743 : memref<1024x32xf32, #tpu.memory_space<vmem>>) dst(%dma_wait3A_739 : memref<1024x32xf32, #tpu.memory_space<hbm>>)
            "tpu.trace_stop"() : () -> ()
          } else {
          }
          %and3A_695 = arith.constant true
          %and3A_696 = arith.andi %and3A_691, %and3A_695 : i1
          %add3A_697 = arith.constant 1 : i32
          %add3A_698 = arith.addi %while3A_216, %add3A_697 : i32
          %select_n3A_699 = arith.select %and3A_696, %add3A_698, %while3A_216 : i32
          %ne3A_700 = arith.cmpi ne, %add3A_228, %add3A_264 : i32
          %ne3A_701 = arith.cmpi ne, %add3A_230, %add3A_266 : i32
          %or3A_702 = arith.constant false
          %or3A_703 = arith.ori %or3A_702, %ne3A_700 : i1
          %or3A_704 = arith.ori %or3A_703, %ne3A_701 : i1
          %or3A_705 = arith.ori %or3A_704, %eq3A_227 : i1
          %add3A_706 = arith.constant 1 : i32
          %add3A_707 = arith.addi %while3A_214, %add3A_706 : i32
          %select_n3A_708 = arith.select %or3A_705, %add3A_707, %while3A_214 : i32
          %add3A_709 = arith.constant 1 : i32
          %add3A_710 = arith.addi %while3A_218, %add3A_709 : i32
          %select_n3A_711 = arith.constant true
          %select_n3A_712 = arith.select %select_n3A_711, %add3A_710, %while3A_218 : i32
          %eq3A_713 = arith.constant 16 : i32
          %eq3A_714 = arith.cmpi eq, %select_n3A_712, %eq3A_713 : i32
          %select_n3A_715 = arith.constant 0 : i32
          %select_n3A_716 = arith.select %eq3A_714, %select_n3A_715, %select_n3A_712 : i32
          %add3A_717 = arith.constant 1 : i32
          %add3A_718 = arith.addi %while3A_217, %add3A_717 : i32
          %select_n3A_719 = arith.select %eq3A_714, %add3A_718, %while3A_217 : i32
          %eq3A_720 = arith.cmpi eq, %select_n3A_719, %select_n3A : i32
          %select_n3A_721 = arith.constant 0 : i32
          %select_n3A_722 = arith.select %eq3A_720, %select_n3A_721, %select_n3A_719 : i32
          scf.yield %select_n3A_299, %select_n3A_708, %select_n3A_664, %select_n3A_699, %select_n3A_722, %select_n3A_716 : i32, i32, i32, i32, i32, i32
        }
        %while3A_121 = arith.constant 1 : i32
        %while3A_122:6 = scf.for %while3A_212 = %while3A_118 to %while3A_114 step %while3A_121 iter_args(%while3A_213 = %while3A_120#0, %while3A_214 = %while3A_120#1, %while3A_215 = %while3A_120#2, %while3A_216 = %while3A_120#3, %while3A_217 = %while3A_120#4, %while3A_218 = %while3A_120#5) -> (i32, i32, i32, i32, i32, i32)  : i32 {
          %mul3A_219 = arith.constant 1 : i32
          %mul3A_220 = arith.muli %mul3A_219, %select_n3A : i32
          %mul3A_221 = arith.constant 16 : i32
          %mul3A_222 = arith.muli %mul3A_220, %mul3A_221 : i32
          %eq3A_223 = arith.constant 0 : i32
          %eq3A_224 = arith.cmpi eq, %while3A_212, %eq3A_223 : i32
          %sub3A_225 = arith.constant 1 : i32
          %sub3A_226 = arith.subi %mul3A_222, %sub3A_225 : i32
          %eq3A_227 = arith.cmpi eq, %while3A_212, %sub3A_226 : i32
          %add3A_228 = arith.addi %while3A_217, %select_n3A_14 : i32
          %add3A_229 = arith.constant 0 : i32
          %add3A_230 = arith.addi %while3A_218, %add3A_229 : i32
          %sub3A_231 = arith.constant 1 : i32
          %sub3A_232 = arith.subi %while3A_218, %sub3A_231 : i32
          %select_n3A_233 = arith.constant true
          %select_n3A_234 = arith.select %select_n3A_233, %sub3A_232, %while3A_218 : i32
          %eq3A_235 = arith.constant -1 : i32
          %eq3A_236 = arith.cmpi eq, %select_n3A_234, %eq3A_235 : i32
          %select_n3A_237 = arith.constant 15 : i32
          %select_n3A_238 = arith.select %eq3A_236, %select_n3A_237, %select_n3A_234 : i32
          %sub3A_239 = arith.constant 1 : i32
          %sub3A_240 = arith.subi %while3A_217, %sub3A_239 : i32
          %select_n3A_241 = arith.select %eq3A_236, %sub3A_240, %while3A_217 : i32
          %eq3A_242 = arith.constant -1 : i32
          %eq3A_243 = arith.cmpi eq, %select_n3A_241, %eq3A_242 : i32
          %sub3A_244 = arith.constant 1 : i32
          %sub3A_245 = arith.subi %select_n3A, %sub3A_244 : i32
          %select_n3A_246 = arith.select %eq3A_243, %sub3A_245, %select_n3A_241 : i32
          %add3A_247 = arith.addi %select_n3A_246, %select_n3A_14 : i32
          %add3A_248 = arith.constant 0 : i32
          %add3A_249 = arith.addi %select_n3A_238, %add3A_248 : i32
          %add3A_250 = arith.constant 1 : i32
          %add3A_251 = arith.addi %while3A_218, %add3A_250 : i32
          %select_n3A_252 = arith.constant true
          %select_n3A_253 = arith.select %select_n3A_252, %add3A_251, %while3A_218 : i32
          %eq3A_254 = arith.constant 16 : i32
          %eq3A_255 = arith.cmpi eq, %select_n3A_253, %eq3A_254 : i32
          %select_n3A_256 = arith.constant 0 : i32
          %select_n3A_257 = arith.select %eq3A_255, %select_n3A_256, %select_n3A_253 : i32
          %add3A_258 = arith.constant 1 : i32
          %add3A_259 = arith.addi %while3A_217, %add3A_258 : i32
          %select_n3A_260 = arith.select %eq3A_255, %add3A_259, %while3A_217 : i32
          %eq3A_261 = arith.cmpi eq, %select_n3A_260, %select_n3A : i32
          %select_n3A_262 = arith.constant 0 : i32
          %select_n3A_263 = arith.select %eq3A_261, %select_n3A_262, %select_n3A_260 : i32
          %add3A_264 = arith.addi %select_n3A_263, %select_n3A_14 : i32
          %add3A_265 = arith.constant 0 : i32
          %add3A_266 = arith.addi %select_n3A_257, %add3A_265 : i32
          %add3A_267 = arith.constant 1 : i32
          %add3A_268 = arith.addi %select_n3A_257, %add3A_267 : i32
          %select_n3A_269 = arith.constant true
          %select_n3A_270 = arith.select %select_n3A_269, %add3A_268, %select_n3A_257 : i32
          %eq3A_271 = arith.constant 16 : i32
          %eq3A_272 = arith.cmpi eq, %select_n3A_270, %eq3A_271 : i32
          %select_n3A_273 = arith.constant 0 : i32
          %select_n3A_274 = arith.select %eq3A_272, %select_n3A_273, %select_n3A_270 : i32
          %add3A_275 = arith.constant 1 : i32
          %add3A_276 = arith.addi %select_n3A_263, %add3A_275 : i32
          %select_n3A_277 = arith.select %eq3A_272, %add3A_276, %select_n3A_263 : i32
          %eq3A_278 = arith.cmpi eq, %select_n3A_277, %select_n3A : i32
          %select_n3A_279 = arith.constant 0 : i32
          %select_n3A_280 = arith.select %eq3A_278, %select_n3A_279, %select_n3A_277 : i32
          %add3A_281 = arith.addi %select_n3A_280, %select_n3A_14 : i32
          %add3A_282 = arith.constant 0 : i32
          %add3A_283 = arith.addi %select_n3A_274, %add3A_282 : i32
          %ne3A = arith.cmpi ne, %add3A_228, %add3A_264 : i32
          %ne3A_284 = arith.cmpi ne, %add3A_230, %add3A_266 : i32
          %or3A = arith.constant false
          %or3A_285 = arith.ori %or3A, %ne3A : i1
          %or3A_286 = arith.ori %or3A_285, %ne3A_284 : i1
          %sub3A_287 = arith.constant 2 : i32
          %sub3A_288 = arith.subi %mul3A_222, %sub3A_287 : i32
          %add3A_289 = arith.constant 1 : i32
          %add3A_290 = arith.addi %sub3A_288, %add3A_289 : i32
          %ge3A = arith.cmpi sge, %while3A_212, %add3A_290 : i32
          %not3A = arith.constant true
          %not3A_291 = arith.xori %ge3A, %not3A : i1
          %and3A = arith.andi %or3A_286, %not3A_291 : i1
          %convert_element_type3A_292 = arith.extui %and3A : i1 to i32
          %cond3A_293 = arith.constant 0 : i32
          %cond3A_294 = arith.cmpi ne, %convert_element_type3A_292, %cond3A_293 : i32
          scf.if %cond3A_294 {
            "tpu.trace_start"() <{level = 10 : i32, message = "ep_copy_in"}> : () -> ()
            %rem3A_723 = arith.constant 2 : i32
            %rem3A_724 = arith.remui %while3A_213, %rem3A_723 : i32
            %mul3A_725 = arith.constant 1 : i32
            %mul3A_726 = arith.muli %mul3A_725, %add3A_264 : i32
            %mul3A_727 = arith.constant 1024 : i32
            %mul3A_728 = arith.muli %mul3A_727, %add3A_266 : i32
            %dma_start3A_729 = arith.constant 0 : i32
            %dma_start3A_730 = arith.constant 0 : i32
            %dma_start3A_731 = tpu.memref_slice %run_scoped3A[%rem3A_724, %dma_start3A_729, %dma_start3A_730] : memref<2x1x1024xi32, #tpu.memory_space<vmem>> -> memref<1x1x1024xi32, #tpu.memory_space<vmem>>
            %dma_start3A_732 = tpu.memref_squeeze %dma_start3A_731 : memref<1x1x1024xi32, #tpu.memory_space<vmem>> -> memref<1x1024xi32, #tpu.memory_space<vmem>>
            %dma_start3A_733 = tpu.memref_slice %arg3[%mul3A_726, %mul3A_728] : memref<50x16384xi32, #tpu.memory_space<hbm>> -> memref<1x1024xi32, #tpu.memory_space<hbm>>
            %dma_start3A_734 = tpu.memref_slice %run_scoped3A_19[%rem3A_724] : memref<2x!tpu.dma_semaphore, #tpu.memory_space<semaphore_mem>> -> memref<1x!tpu.dma_semaphore, #tpu.memory_space<semaphore_mem>>
            %dma_start3A_735 = tpu.memref_squeeze %dma_start3A_734 : memref<1x!tpu.dma_semaphore, #tpu.memory_space<semaphore_mem>> -> memref<!tpu.dma_semaphore, #tpu.memory_space<semaphore_mem>>
            %dma_start3A_736 = arith.constant 0 : i32
            %dma_start3A_737 = arith.constant 0 : i32
            %dma_start3A_738 = tpu.memref_slice %run_scoped3A[%rem3A_724, %dma_start3A_736, %dma_start3A_737] : memref<2x1x1024xi32, #tpu.memory_space<vmem>> -> memref<1x1x1024xi32, #tpu.memory_space<vmem>>
            %dma_start3A_739 = tpu.memref_squeeze %dma_start3A_738 : memref<1x1x1024xi32, #tpu.memory_space<vmem>> -> memref<1x1024xi32, #tpu.memory_space<vmem>>
            %dma_start3A_740 = tpu.memref_slice %arg3[%mul3A_726, %mul3A_728] : memref<50x16384xi32, #tpu.memory_space<hbm>> -> memref<1x1024xi32, #tpu.memory_space<hbm>>
            tpu.enqueue_dma source(%dma_start3A_740 : memref<1x1024xi32, #tpu.memory_space<hbm>>) target(%dma_start3A_739 : memref<1x1024xi32, #tpu.memory_space<vmem>>) target_semaphore(%dma_start3A_735 : memref<!tpu.dma_semaphore, #tpu.memory_space<semaphore_mem>>)
            "tpu.trace_stop"() : () -> ()
          } else {
          }
          %and3A_295 = arith.constant true
          %and3A_296 = arith.andi %and3A, %and3A_295 : i1
          %add3A_297 = arith.constant 1 : i32
          %add3A_298 = arith.addi %while3A_213, %add3A_297 : i32
          %select_n3A_299 = arith.select %and3A_296, %add3A_298, %while3A_213 : i32
          %mul3A_300 = arith.constant 16 : i32
          %mul3A_301 = arith.muli %add3A_228, %mul3A_300 : i32
          %add3A_302 = arith.addi %mul3A_301, %add3A_230 : i32
          %mul3A_303 = arith.constant 16 : i32
          %mul3A_304 = arith.muli %add3A_264, %mul3A_303 : i32
          %add3A_305 = arith.addi %mul3A_304, %add3A_266 : i32
          %ne3A_306 = arith.cmpi ne, %add3A_302, %add3A_305 : i32
          %or3A_307 = arith.constant false
          %or3A_308 = arith.ori %or3A_307, %ne3A_306 : i1
          %or3A_309 = arith.constant false
          %or3A_310 = arith.ori %or3A_308, %or3A_309 : i1
          %sub3A_311 = arith.constant 2 : i32
          %sub3A_312 = arith.subi %mul3A_222, %sub3A_311 : i32
          %add3A_313 = arith.constant 1 : i32
          %add3A_314 = arith.addi %sub3A_312, %add3A_313 : i32
          %ge3A_315 = arith.cmpi sge, %while3A_212, %add3A_314 : i32
          %not3A_316 = arith.constant true
          %not3A_317 = arith.xori %ge3A_315, %not3A_316 : i1
          %and3A_318 = arith.andi %or3A_310, %not3A_317 : i1
          %ne3A_319 = arith.cmpi ne, %add3A_228, %add3A_247 : i32
          %ne3A_320 = arith.cmpi ne, %add3A_230, %add3A_249 : i32
          %or3A_321 = arith.constant false
          %or3A_322 = arith.ori %or3A_321, %ne3A_319 : i1
          %or3A_323 = arith.ori %or3A_322, %ne3A_320 : i1
          %or3A_324 = arith.ori %or3A_323, %eq3A_224 : i1
          %convert_element_type3A_325 = arith.extui %or3A_324 : i1 to i32
          %cond3A_326 = arith.constant 0 : i32
          %cond3A_327 = arith.cmpi ne, %convert_element_type3A_325, %cond3A_326 : i32
          scf.if %cond3A_327 {
            "tpu.trace_start"() <{level = 10 : i32, message = "ep_wait_in"}> : () -> ()
            %mul3A_723 = arith.constant 1 : i32
            %mul3A_724 = arith.muli %mul3A_723, %add3A_228 : i32
            %mul3A_725 = arith.constant 1024 : i32
            %mul3A_726 = arith.muli %mul3A_725, %add3A_230 : i32
            %rem3A_727 = arith.constant 2 : i32
            %rem3A_728 = arith.remui %while3A_214, %rem3A_727 : i32
            %dma_wait3A_729 = arith.constant 0 : i32
            %dma_wait3A_730 = arith.constant 0 : i32
            %dma_wait3A_731 = tpu.memref_slice %run_scoped3A[%rem3A_728, %dma_wait3A_729, %dma_wait3A_730] : memref<2x1x1024xi32, #tpu.memory_space<vmem>> -> memref<1x1x1024xi32, #tpu.memory_space<vmem>>
            %dma_wait3A_732 = tpu.memref_squeeze %dma_wait3A_731 : memref<1x1x1024xi32, #tpu.memory_space<vmem>> -> memref<1x1024xi32, #tpu.memory_space<vmem>>
            %dma_wait3A_733 = tpu.memref_slice %arg3[%mul3A_724, %mul3A_726] : memref<50x16384xi32, #tpu.memory_space<hbm>> -> memref<1x1024xi32, #tpu.memory_space<hbm>>
            %dma_wait3A_734 = tpu.memref_slice %run_scoped3A_19[%rem3A_728] : memref<2x!tpu.dma_semaphore, #tpu.memory_space<semaphore_mem>> -> memref<1x!tpu.dma_semaphore, #tpu.memory_space<semaphore_mem>>
            %dma_wait3A_735 = tpu.memref_squeeze %dma_wait3A_734 : memref<1x!tpu.dma_semaphore, #tpu.memory_space<semaphore_mem>> -> memref<!tpu.dma_semaphore, #tpu.memory_space<semaphore_mem>>
            %dma_wait3A_736 = arith.constant 0 : i32
            %dma_wait3A_737 = arith.constant 0 : i32
            %dma_wait3A_738 = tpu.memref_slice %run_scoped3A[%rem3A_728, %dma_wait3A_736, %dma_wait3A_737] : memref<2x1x1024xi32, #tpu.memory_space<vmem>> -> memref<1x1x1024xi32, #tpu.memory_space<vmem>>
            %dma_wait3A_739 = tpu.memref_squeeze %dma_wait3A_738 : memref<1x1x1024xi32, #tpu.memory_space<vmem>> -> memref<1x1024xi32, #tpu.memory_space<vmem>>
            %dma_wait3A_740 = tpu.memref_slice %arg3[%mul3A_724, %mul3A_726] : memref<50x16384xi32, #tpu.memory_space<hbm>> -> memref<1x1024xi32, #tpu.memory_space<hbm>>
            tpu.wait_dma2 semaphore(%dma_wait3A_735 : memref<!tpu.dma_semaphore, #tpu.memory_space<semaphore_mem>>) src(%dma_wait3A_740 : memref<1x1024xi32, #tpu.memory_space<hbm>>) dst(%dma_wait3A_739 : memref<1x1024xi32, #tpu.memory_space<vmem>>)
            "tpu.trace_stop"() : () -> ()
          } else {
          }
          %mul3A_328 = arith.constant 16 : i32
          %mul3A_329 = arith.muli %add3A_228, %mul3A_328 : i32
          %add3A_330 = arith.addi %mul3A_329, %add3A_230 : i32
          %mul3A_331 = arith.constant 16 : i32
          %mul3A_332 = arith.muli %add3A_247, %mul3A_331 : i32
          %add3A_333 = arith.addi %mul3A_332, %add3A_249 : i32
          %ne3A_334 = arith.cmpi ne, %add3A_330, %add3A_333 : i32
          %or3A_335 = arith.constant false
          %or3A_336 = arith.ori %or3A_335, %ne3A_334 : i1
          %or3A_337 = arith.constant false
          %or3A_338 = arith.ori %or3A_336, %or3A_337 : i1
          %or3A_339 = arith.ori %or3A_338, %eq3A_224 : i1
          %convert_element_type3A_340 = arith.extui %or3A_339 : i1 to i32
          %cond3A_341 = arith.constant 0 : i32
          %cond3A_342 = arith.cmpi ne, %convert_element_type3A_340, %cond3A_341 : i32
          scf.if %cond3A_342 {
          } else {
          }
          %rem3A_343 = arith.constant 2 : i32
          %rem3A_344 = arith.remui %while3A_214, %rem3A_343 : i32
          %rem3A_345 = arith.constant 2 : i32
          %rem3A_346 = arith.remui %while3A_215, %rem3A_345 : i32
          %dma_start3A_347 = arith.constant 0 : i32
          "tpu.trace_start"() <{level = 10 : i32, message = "ep_run_kernel"}> : () -> ()
          %dma_start3A_348 = arith.constant 0 : i32
          %dma_start3A_349 = arith.constant 0 : i32
          %dma_start3A_350 = tpu.memref_slice %run_scoped3A_20[%rem3A_346, %dma_start3A_348, %dma_start3A_349] : memref<2x1024x32xf32, #tpu.memory_space<vmem>> -> memref<1x1024x32xf32, #tpu.memory_space<vmem>>
          %dma_start3A_351 = tpu.memref_squeeze %dma_start3A_350 : memref<1x1024x32xf32, #tpu.memory_space<vmem>> -> memref<1024x32xf32, #tpu.memory_space<vmem>>
          %dma_start3A_352 = arith.constant 0 : i32
          %dma_start3A_353 = arith.constant 0 : i32
          %dma_start3A_354 = tpu.memref_slice %dma_start3A_351[%dma_start3A_352, %dma_start3A_353] : memref<1024x32xf32, #tpu.memory_space<vmem>> -> memref<128x32xf32, #tpu.memory_space<vmem>>
          %dma_start3A_355 = arith.constant 0 : i32
          %dma_start3A_356 = arith.constant 0 : i32
          %dma_start3A_357 = tpu.memref_slice %run_scoped3A[%rem3A_344, %dma_start3A_355, %dma_start3A_356] : memref<2x1x1024xi32, #tpu.memory_space<vmem>> -> memref<1x1x1024xi32, #tpu.memory_space<vmem>>
          %dma_start3A_358 = tpu.memref_squeeze %dma_start3A_357 : memref<1x1x1024xi32, #tpu.memory_space<vmem>> -> memref<1x1024xi32, #tpu.memory_space<vmem>>
          %dma_start3A_359 = arith.constant 0 : i32
          %dma_start3A_360 = tpu.memref_slice %dma_start3A_358[%dma_start3A_347, %dma_start3A_359] : memref<1x1024xi32, #tpu.memory_space<vmem>> -> memref<1x128xi32, #tpu.memory_space<vmem>>
          %dma_start3A_361 = tpu.memref_squeeze %dma_start3A_360 : memref<1x128xi32, #tpu.memory_space<vmem>> -> memref<128xi32, #tpu.memory_space<vmem>>
          %dma_start3A_362 = arith.constant 0 : i32
          %dma_start3A_363 = arith.constant 0 : i32
          %dma_start3A_364 = tpu.memref_slice %arg2[%dma_start3A_362, %dma_start3A_363] : memref<1000000x32xf32, #tpu.memory_space<hbm>> -> memref<1000000x32xf32, #tpu.memory_space<hbm>>
          tpu.enqueue_indirect_dma source(%dma_start3A_364 : memref<1000000x32xf32, #tpu.memory_space<hbm>>) target(%dma_start3A_354 : memref<128x32xf32, #tpu.memory_space<vmem>>) offsets(%dma_start3A_361 : memref<128xi32, #tpu.memory_space<vmem>>) semaphore(%arg5 : memref<!tpu.dma_semaphore, #tpu.memory_space<semaphore_mem>>)
          %dma_start3A_365 = arith.constant 0 : i32
          %dma_start3A_366 = arith.constant 0 : i32
          %dma_start3A_367 = arith.constant 0 : i32
          %dma_start3A_368 = tpu.memref_slice %run_scoped3A_20[%rem3A_346, %dma_start3A_366, %dma_start3A_367] : memref<2x1024x32xf32, #tpu.memory_space<vmem>> -> memref<1x1024x32xf32, #tpu.memory_space<vmem>>
          %dma_start3A_369 = tpu.memref_squeeze %dma_start3A_368 : memref<1x1024x32xf32, #tpu.memory_space<vmem>> -> memref<1024x32xf32, #tpu.memory_space<vmem>>
          %dma_start3A_370 = arith.constant 128 : i32
          %dma_start3A_371 = arith.constant 0 : i32
          %dma_start3A_372 = tpu.memref_slice %dma_start3A_369[%dma_start3A_370, %dma_start3A_371] : memref<1024x32xf32, #tpu.memory_space<vmem>> -> memref<128x32xf32, #tpu.memory_space<vmem>>
          %dma_start3A_373 = arith.constant 0 : i32
          %dma_start3A_374 = arith.constant 0 : i32
          %dma_start3A_375 = tpu.memref_slice %run_scoped3A[%rem3A_344, %dma_start3A_373, %dma_start3A_374] : memref<2x1x1024xi32, #tpu.memory_space<vmem>> -> memref<1x1x1024xi32, #tpu.memory_space<vmem>>
          %dma_start3A_376 = tpu.memref_squeeze %dma_start3A_375 : memref<1x1x1024xi32, #tpu.memory_space<vmem>> -> memref<1x1024xi32, #tpu.memory_space<vmem>>
          %dma_start3A_377 = arith.constant 128 : i32
          %dma_start3A_378 = tpu.memref_slice %dma_start3A_376[%dma_start3A_365, %dma_start3A_377] : memref<1x1024xi32, #tpu.memory_space<vmem>> -> memref<1x128xi32, #tpu.memory_space<vmem>>
          %dma_start3A_379 = tpu.memref_squeeze %dma_start3A_378 : memref<1x128xi32, #tpu.memory_space<vmem>> -> memref<128xi32, #tpu.memory_space<vmem>>
          %dma_start3A_380 = arith.constant 0 : i32
          %dma_start3A_381 = arith.constant 0 : i32
          %dma_start3A_382 = tpu.memref_slice %arg2[%dma_start3A_380, %dma_start3A_381] : memref<1000000x32xf32, #tpu.memory_space<hbm>> -> memref<1000000x32xf32, #tpu.memory_space<hbm>>
          tpu.enqueue_indirect_dma source(%dma_start3A_382 : memref<1000000x32xf32, #tpu.memory_space<hbm>>) target(%dma_start3A_372 : memref<128x32xf32, #tpu.memory_space<vmem>>) offsets(%dma_start3A_379 : memref<128xi32, #tpu.memory_space<vmem>>) semaphore(%arg5 : memref<!tpu.dma_semaphore, #tpu.memory_space<semaphore_mem>>)
          %dma_start3A_383 = arith.constant 0 : i32
          %dma_start3A_384 = arith.constant 0 : i32
          %dma_start3A_385 = arith.constant 0 : i32
          %dma_start3A_386 = tpu.memref_slice %run_scoped3A_20[%rem3A_346, %dma_start3A_384, %dma_start3A_385] : memref<2x1024x32xf32, #tpu.memory_space<vmem>> -> memref<1x1024x32xf32, #tpu.memory_space<vmem>>
          %dma_start3A_387 = tpu.memref_squeeze %dma_start3A_386 : memref<1x1024x32xf32, #tpu.memory_space<vmem>> -> memref<1024x32xf32, #tpu.memory_space<vmem>>
          %dma_start3A_388 = arith.constant 256 : i32
          %dma_start3A_389 = arith.constant 0 : i32
          %dma_start3A_390 = tpu.memref_slice %dma_start3A_387[%dma_start3A_388, %dma_start3A_389] : memref<1024x32xf32, #tpu.memory_space<vmem>> -> memref<128x32xf32, #tpu.memory_space<vmem>>
          %dma_start3A_391 = arith.constant 0 : i32
          %dma_start3A_392 = arith.constant 0 : i32
          %dma_start3A_393 = tpu.memref_slice %run_scoped3A[%rem3A_344, %dma_start3A_391, %dma_start3A_392] : memref<2x1x1024xi32, #tpu.memory_space<vmem>> -> memref<1x1x1024xi32, #tpu.memory_space<vmem>>
          %dma_start3A_394 = tpu.memref_squeeze %dma_start3A_393 : memref<1x1x1024xi32, #tpu.memory_space<vmem>> -> memref<1x1024xi32, #tpu.memory_space<vmem>>
          %dma_start3A_395 = arith.constant 256 : i32
          %dma_start3A_396 = tpu.memref_slice %dma_start3A_394[%dma_start3A_383, %dma_start3A_395] : memref<1x1024xi32, #tpu.memory_space<vmem>> -> memref<1x128xi32, #tpu.memory_space<vmem>>
          %dma_start3A_397 = tpu.memref_squeeze %dma_start3A_396 : memref<1x128xi32, #tpu.memory_space<vmem>> -> memref<128xi32, #tpu.memory_space<vmem>>
          %dma_start3A_398 = arith.constant 0 : i32
          %dma_start3A_399 = arith.constant 0 : i32
          %dma_start3A_400 = tpu.memref_slice %arg2[%dma_start3A_398, %dma_start3A_399] : memref<1000000x32xf32, #tpu.memory_space<hbm>> -> memref<1000000x32xf32, #tpu.memory_space<hbm>>
          tpu.enqueue_indirect_dma source(%dma_start3A_400 : memref<1000000x32xf32, #tpu.memory_space<hbm>>) target(%dma_start3A_390 : memref<128x32xf32, #tpu.memory_space<vmem>>) offsets(%dma_start3A_397 : memref<128xi32, #tpu.memory_space<vmem>>) semaphore(%arg5 : memref<!tpu.dma_semaphore, #tpu.memory_space<semaphore_mem>>)
          %dma_start3A_401 = arith.constant 0 : i32
          %dma_start3A_402 = arith.constant 0 : i32
          %dma_start3A_403 = arith.constant 0 : i32
          %dma_start3A_404 = tpu.memref_slice %run_scoped3A_20[%rem3A_346, %dma_start3A_402, %dma_start3A_403] : memref<2x1024x32xf32, #tpu.memory_space<vmem>> -> memref<1x1024x32xf32, #tpu.memory_space<vmem>>
          %dma_start3A_405 = tpu.memref_squeeze %dma_start3A_404 : memref<1x1024x32xf32, #tpu.memory_space<vmem>> -> memref<1024x32xf32, #tpu.memory_space<vmem>>
          %dma_start3A_406 = arith.constant 384 : i32
          %dma_start3A_407 = arith.constant 0 : i32
          %dma_start3A_408 = tpu.memref_slice %dma_start3A_405[%dma_start3A_406, %dma_start3A_407] : memref<1024x32xf32, #tpu.memory_space<vmem>> -> memref<128x32xf32, #tpu.memory_space<vmem>>
          %dma_start3A_409 = arith.constant 0 : i32
          %dma_start3A_410 = arith.constant 0 : i32
          %dma_start3A_411 = tpu.memref_slice %run_scoped3A[%rem3A_344, %dma_start3A_409, %dma_start3A_410] : memref<2x1x1024xi32, #tpu.memory_space<vmem>> -> memref<1x1x1024xi32, #tpu.memory_space<vmem>>
          %dma_start3A_412 = tpu.memref_squeeze %dma_start3A_411 : memref<1x1x1024xi32, #tpu.memory_space<vmem>> -> memref<1x1024xi32, #tpu.memory_space<vmem>>
          %dma_start3A_413 = arith.constant 384 : i32
          %dma_start3A_414 = tpu.memref_slice %dma_start3A_412[%dma_start3A_401, %dma_start3A_413] : memref<1x1024xi32, #tpu.memory_space<vmem>> -> memref<1x128xi32, #tpu.memory_space<vmem>>
          %dma_start3A_415 = tpu.memref_squeeze %dma_start3A_414 : memref<1x128xi32, #tpu.memory_space<vmem>> -> memref<128xi32, #tpu.memory_space<vmem>>
          %dma_start3A_416 = arith.constant 0 : i32
          %dma_start3A_417 = arith.constant 0 : i32
          %dma_start3A_418 = tpu.memref_slice %arg2[%dma_start3A_416, %dma_start3A_417] : memref<1000000x32xf32, #tpu.memory_space<hbm>> -> memref<1000000x32xf32, #tpu.memory_space<hbm>>
          tpu.enqueue_indirect_dma source(%dma_start3A_418 : memref<1000000x32xf32, #tpu.memory_space<hbm>>) target(%dma_start3A_408 : memref<128x32xf32, #tpu.memory_space<vmem>>) offsets(%dma_start3A_415 : memref<128xi32, #tpu.memory_space<vmem>>) semaphore(%arg5 : memref<!tpu.dma_semaphore, #tpu.memory_space<semaphore_mem>>)
          %dma_start3A_419 = arith.constant 0 : i32
          %dma_start3A_420 = arith.constant 0 : i32
          %dma_start3A_421 = arith.constant 0 : i32
          %dma_start3A_422 = tpu.memref_slice %run_scoped3A_20[%rem3A_346, %dma_start3A_420, %dma_start3A_421] : memref<2x1024x32xf32, #tpu.memory_space<vmem>> -> memref<1x1024x32xf32, #tpu.memory_space<vmem>>
          %dma_start3A_423 = tpu.memref_squeeze %dma_start3A_422 : memref<1x1024x32xf32, #tpu.memory_space<vmem>> -> memref<1024x32xf32, #tpu.memory_space<vmem>>
          %dma_start3A_424 = arith.constant 512 : i32
          %dma_start3A_425 = arith.constant 0 : i32
          %dma_start3A_426 = tpu.memref_slice %dma_start3A_423[%dma_start3A_424, %dma_start3A_425] : memref<1024x32xf32, #tpu.memory_space<vmem>> -> memref<128x32xf32, #tpu.memory_space<vmem>>
          %dma_start3A_427 = arith.constant 0 : i32
          %dma_start3A_428 = arith.constant 0 : i32
          %dma_start3A_429 = tpu.memref_slice %run_scoped3A[%rem3A_344, %dma_start3A_427, %dma_start3A_428] : memref<2x1x1024xi32, #tpu.memory_space<vmem>> -> memref<1x1x1024xi32, #tpu.memory_space<vmem>>
          %dma_start3A_430 = tpu.memref_squeeze %dma_start3A_429 : memref<1x1x1024xi32, #tpu.memory_space<vmem>> -> memref<1x1024xi32, #tpu.memory_space<vmem>>
          %dma_start3A_431 = arith.constant 512 : i32
          %dma_start3A_432 = tpu.memref_slice %dma_start3A_430[%dma_start3A_419, %dma_start3A_431] : memref<1x1024xi32, #tpu.memory_space<vmem>> -> memref<1x128xi32, #tpu.memory_space<vmem>>
          %dma_start3A_433 = tpu.memref_squeeze %dma_start3A_432 : memref<1x128xi32, #tpu.memory_space<vmem>> -> memref<128xi32, #tpu.memory_space<vmem>>
          %dma_start3A_434 = arith.constant 0 : i32
          %dma_start3A_435 = arith.constant 0 : i32
          %dma_start3A_436 = tpu.memref_slice %arg2[%dma_start3A_434, %dma_start3A_435] : memref<1000000x32xf32, #tpu.memory_space<hbm>> -> memref<1000000x32xf32, #tpu.memory_space<hbm>>
          tpu.enqueue_indirect_dma source(%dma_start3A_436 : memref<1000000x32xf32, #tpu.memory_space<hbm>>) target(%dma_start3A_426 : memref<128x32xf32, #tpu.memory_space<vmem>>) offsets(%dma_start3A_433 : memref<128xi32, #tpu.memory_space<vmem>>) semaphore(%arg5 : memref<!tpu.dma_semaphore, #tpu.memory_space<semaphore_mem>>)
          %dma_start3A_437 = arith.constant 0 : i32
          %dma_start3A_438 = arith.constant 0 : i32
          %dma_start3A_439 = arith.constant 0 : i32
          %dma_start3A_440 = tpu.memref_slice %run_scoped3A_20[%rem3A_346, %dma_start3A_438, %dma_start3A_439] : memref<2x1024x32xf32, #tpu.memory_space<vmem>> -> memref<1x1024x32xf32, #tpu.memory_space<vmem>>
          %dma_start3A_441 = tpu.memref_squeeze %dma_start3A_440 : memref<1x1024x32xf32, #tpu.memory_space<vmem>> -> memref<1024x32xf32, #tpu.memory_space<vmem>>
          %dma_start3A_442 = arith.constant 640 : i32
          %dma_start3A_443 = arith.constant 0 : i32
          %dma_start3A_444 = tpu.memref_slice %dma_start3A_441[%dma_start3A_442, %dma_start3A_443] : memref<1024x32xf32, #tpu.memory_space<vmem>> -> memref<128x32xf32, #tpu.memory_space<vmem>>
          %dma_start3A_445 = arith.constant 0 : i32
          %dma_start3A_446 = arith.constant 0 : i32
          %dma_start3A_447 = tpu.memref_slice %run_scoped3A[%rem3A_344, %dma_start3A_445, %dma_start3A_446] : memref<2x1x1024xi32, #tpu.memory_space<vmem>> -> memref<1x1x1024xi32, #tpu.memory_space<vmem>>
          %dma_start3A_448 = tpu.memref_squeeze %dma_start3A_447 : memref<1x1x1024xi32, #tpu.memory_space<vmem>> -> memref<1x1024xi32, #tpu.memory_space<vmem>>
          %dma_start3A_449 = arith.constant 640 : i32
          %dma_start3A_450 = tpu.memref_slice %dma_start3A_448[%dma_start3A_437, %dma_start3A_449] : memref<1x1024xi32, #tpu.memory_space<vmem>> -> memref<1x128xi32, #tpu.memory_space<vmem>>
          %dma_start3A_451 = tpu.memref_squeeze %dma_start3A_450 : memref<1x128xi32, #tpu.memory_space<vmem>> -> memref<128xi32, #tpu.memory_space<vmem>>
          %dma_start3A_452 = arith.constant 0 : i32
          %dma_start3A_453 = arith.constant 0 : i32
          %dma_start3A_454 = tpu.memref_slice %arg2[%dma_start3A_452, %dma_start3A_453] : memref<1000000x32xf32, #tpu.memory_space<hbm>> -> memref<1000000x32xf32, #tpu.memory_space<hbm>>
          tpu.enqueue_indirect_dma source(%dma_start3A_454 : memref<1000000x32xf32, #tpu.memory_space<hbm>>) target(%dma_start3A_444 : memref<128x32xf32, #tpu.memory_space<vmem>>) offsets(%dma_start3A_451 : memref<128xi32, #tpu.memory_space<vmem>>) semaphore(%arg5 : memref<!tpu.dma_semaphore, #tpu.memory_space<semaphore_mem>>)
          %dma_start3A_455 = arith.constant 0 : i32
          %dma_start3A_456 = arith.constant 0 : i32
          %dma_start3A_457 = arith.constant 0 : i32
          %dma_start3A_458 = tpu.memref_slice %run_scoped3A_20[%rem3A_346, %dma_start3A_456, %dma_start3A_457] : memref<2x1024x32xf32, #tpu.memory_space<vmem>> -> memref<1x1024x32xf32, #tpu.memory_space<vmem>>
          %dma_start3A_459 = tpu.memref_squeeze %dma_start3A_458 : memref<1x1024x32xf32, #tpu.memory_space<vmem>> -> memref<1024x32xf32, #tpu.memory_space<vmem>>
          %dma_start3A_460 = arith.constant 768 : i32
          %dma_start3A_461 = arith.constant 0 : i32
          %dma_start3A_462 = tpu.memref_slice %dma_start3A_459[%dma_start3A_460, %dma_start3A_461] : memref<1024x32xf32, #tpu.memory_space<vmem>> -> memref<128x32xf32, #tpu.memory_space<vmem>>
          %dma_start3A_463 = arith.constant 0 : i32
          %dma_start3A_464 = arith.constant 0 : i32
          %dma_start3A_465 = tpu.memref_slice %run_scoped3A[%rem3A_344, %dma_start3A_463, %dma_start3A_464] : memref<2x1x1024xi32, #tpu.memory_space<vmem>> -> memref<1x1x1024xi32, #tpu.memory_space<vmem>>
          %dma_start3A_466 = tpu.memref_squeeze %dma_start3A_465 : memref<1x1x1024xi32, #tpu.memory_space<vmem>> -> memref<1x1024xi32, #tpu.memory_space<vmem>>
          %dma_start3A_467 = arith.constant 768 : i32
          %dma_start3A_468 = tpu.memref_slice %dma_start3A_466[%dma_start3A_455, %dma_start3A_467] : memref<1x1024xi32, #tpu.memory_space<vmem>> -> memref<1x128xi32, #tpu.memory_space<vmem>>
          %dma_start3A_469 = tpu.memref_squeeze %dma_start3A_468 : memref<1x128xi32, #tpu.memory_space<vmem>> -> memref<128xi32, #tpu.memory_space<vmem>>
          %dma_start3A_470 = arith.constant 0 : i32
          %dma_start3A_471 = arith.constant 0 : i32
          %dma_start3A_472 = tpu.memref_slice %arg2[%dma_start3A_470, %dma_start3A_471] : memref<1000000x32xf32, #tpu.memory_space<hbm>> -> memref<1000000x32xf32, #tpu.memory_space<hbm>>
          tpu.enqueue_indirect_dma source(%dma_start3A_472 : memref<1000000x32xf32, #tpu.memory_space<hbm>>) target(%dma_start3A_462 : memref<128x32xf32, #tpu.memory_space<vmem>>) offsets(%dma_start3A_469 : memref<128xi32, #tpu.memory_space<vmem>>) semaphore(%arg5 : memref<!tpu.dma_semaphore, #tpu.memory_space<semaphore_mem>>)
          %dma_start3A_473 = arith.constant 0 : i32
          %dma_start3A_474 = arith.constant 0 : i32
          %dma_start3A_475 = arith.constant 0 : i32
          %dma_start3A_476 = tpu.memref_slice %run_scoped3A_20[%rem3A_346, %dma_start3A_474, %dma_start3A_475] : memref<2x1024x32xf32, #tpu.memory_space<vmem>> -> memref<1x1024x32xf32, #tpu.memory_space<vmem>>
          %dma_start3A_477 = tpu.memref_squeeze %dma_start3A_476 : memref<1x1024x32xf32, #tpu.memory_space<vmem>> -> memref<1024x32xf32, #tpu.memory_space<vmem>>
          %dma_start3A_478 = arith.constant 896 : i32
          %dma_start3A_479 = arith.constant 0 : i32
          %dma_start3A_480 = tpu.memref_slice %dma_start3A_477[%dma_start3A_478, %dma_start3A_479] : memref<1024x32xf32, #tpu.memory_space<vmem>> -> memref<128x32xf32, #tpu.memory_space<vmem>>
          %dma_start3A_481 = arith.constant 0 : i32
          %dma_start3A_482 = arith.constant 0 : i32
          %dma_start3A_483 = tpu.memref_slice %run_scoped3A[%rem3A_344, %dma_start3A_481, %dma_start3A_482] : memref<2x1x1024xi32, #tpu.memory_space<vmem>> -> memref<1x1x1024xi32, #tpu.memory_space<vmem>>
          %dma_start3A_484 = tpu.memref_squeeze %dma_start3A_483 : memref<1x1x1024xi32, #tpu.memory_space<vmem>> -> memref<1x1024xi32, #tpu.memory_space<vmem>>
          %dma_start3A_485 = arith.constant 896 : i32
          %dma_start3A_486 = tpu.memref_slice %dma_start3A_484[%dma_start3A_473, %dma_start3A_485] : memref<1x1024xi32, #tpu.memory_space<vmem>> -> memref<1x128xi32, #tpu.memory_space<vmem>>
          %dma_start3A_487 = tpu.memref_squeeze %dma_start3A_486 : memref<1x128xi32, #tpu.memory_space<vmem>> -> memref<128xi32, #tpu.memory_space<vmem>>
          %dma_start3A_488 = arith.constant 0 : i32
          %dma_start3A_489 = arith.constant 0 : i32
          %dma_start3A_490 = tpu.memref_slice %arg2[%dma_start3A_488, %dma_start3A_489] : memref<1000000x32xf32, #tpu.memory_space<hbm>> -> memref<1000000x32xf32, #tpu.memory_space<hbm>>
          tpu.enqueue_indirect_dma source(%dma_start3A_490 : memref<1000000x32xf32, #tpu.memory_space<hbm>>) target(%dma_start3A_480 : memref<128x32xf32, #tpu.memory_space<vmem>>) offsets(%dma_start3A_487 : memref<128xi32, #tpu.memory_space<vmem>>) semaphore(%arg5 : memref<!tpu.dma_semaphore, #tpu.memory_space<semaphore_mem>>)
          %dma_wait3A = arith.constant 0 : i32
          %dma_wait3A_491 = arith.constant 0 : i32
          %dma_wait3A_492 = arith.constant 0 : i32
          %dma_wait3A_493 = tpu.memref_slice %run_scoped3A_20[%rem3A_346, %dma_wait3A_491, %dma_wait3A_492] : memref<2x1024x32xf32, #tpu.memory_space<vmem>> -> memref<1x1024x32xf32, #tpu.memory_space<vmem>>
          %dma_wait3A_494 = tpu.memref_squeeze %dma_wait3A_493 : memref<1x1024x32xf32, #tpu.memory_space<vmem>> -> memref<1024x32xf32, #tpu.memory_space<vmem>>
          %dma_wait3A_495 = arith.constant 0 : i32
          %dma_wait3A_496 = arith.constant 0 : i32
          %dma_wait3A_497 = tpu.memref_slice %dma_wait3A_494[%dma_wait3A_495, %dma_wait3A_496] : memref<1024x32xf32, #tpu.memory_space<vmem>> -> memref<128x32xf32, #tpu.memory_space<vmem>>
          %dma_wait3A_498 = arith.constant 0 : i32
          %dma_wait3A_499 = arith.constant 0 : i32
          %dma_wait3A_500 = tpu.memref_slice %run_scoped3A[%rem3A_344, %dma_wait3A_498, %dma_wait3A_499] : memref<2x1x1024xi32, #tpu.memory_space<vmem>> -> memref<1x1x1024xi32, #tpu.memory_space<vmem>>
          %dma_wait3A_501 = tpu.memref_squeeze %dma_wait3A_500 : memref<1x1x1024xi32, #tpu.memory_space<vmem>> -> memref<1x1024xi32, #tpu.memory_space<vmem>>
          %dma_wait3A_502 = arith.constant 0 : i32
          %dma_wait3A_503 = tpu.memref_slice %dma_wait3A_501[%dma_wait3A, %dma_wait3A_502] : memref<1x1024xi32, #tpu.memory_space<vmem>> -> memref<1x128xi32, #tpu.memory_space<vmem>>
          %dma_wait3A_504 = tpu.memref_squeeze %dma_wait3A_503 : memref<1x128xi32, #tpu.memory_space<vmem>> -> memref<128xi32, #tpu.memory_space<vmem>>
          %dma_wait3A_505 = arith.constant 0 : i32
          %dma_wait3A_506 = arith.constant 0 : i32
          %dma_wait3A_507 = tpu.memref_slice %arg2[%dma_wait3A_505, %dma_wait3A_506] : memref<1000000x32xf32, #tpu.memory_space<hbm>> -> memref<1000000x32xf32, #tpu.memory_space<hbm>>
          tpu.wait_indirect_dma semaphore(%arg5 : memref<!tpu.dma_semaphore, #tpu.memory_space<semaphore_mem>>) src(%dma_wait3A_507 : memref<1000000x32xf32, #tpu.memory_space<hbm>>) dst(%dma_wait3A_497 : memref<128x32xf32, #tpu.memory_space<vmem>>)
          %dma_wait3A_508 = arith.constant 0 : i32
          %dma_wait3A_509 = arith.constant 0 : i32
          %dma_wait3A_510 = arith.constant 0 : i32
          %dma_wait3A_511 = tpu.memref_slice %run_scoped3A_20[%rem3A_346, %dma_wait3A_509, %dma_wait3A_510] : memref<2x1024x32xf32, #tpu.memory_space<vmem>> -> memref<1x1024x32xf32, #tpu.memory_space<vmem>>
          %dma_wait3A_512 = tpu.memref_squeeze %dma_wait3A_511 : memref<1x1024x32xf32, #tpu.memory_space<vmem>> -> memref<1024x32xf32, #tpu.memory_space<vmem>>
          %dma_wait3A_513 = arith.constant 128 : i32
          %dma_wait3A_514 = arith.constant 0 : i32
          %dma_wait3A_515 = tpu.memref_slice %dma_wait3A_512[%dma_wait3A_513, %dma_wait3A_514] : memref<1024x32xf32, #tpu.memory_space<vmem>> -> memref<128x32xf32, #tpu.memory_space<vmem>>
          %dma_wait3A_516 = arith.constant 0 : i32
          %dma_wait3A_517 = arith.constant 0 : i32
          %dma_wait3A_518 = tpu.memref_slice %run_scoped3A[%rem3A_344, %dma_wait3A_516, %dma_wait3A_517] : memref<2x1x1024xi32, #tpu.memory_space<vmem>> -> memref<1x1x1024xi32, #tpu.memory_space<vmem>>
          %dma_wait3A_519 = tpu.memref_squeeze %dma_wait3A_518 : memref<1x1x1024xi32, #tpu.memory_space<vmem>> -> memref<1x1024xi32, #tpu.memory_space<vmem>>
          %dma_wait3A_520 = arith.constant 128 : i32
          %dma_wait3A_521 = tpu.memref_slice %dma_wait3A_519[%dma_wait3A_508, %dma_wait3A_520] : memref<1x1024xi32, #tpu.memory_space<vmem>> -> memref<1x128xi32, #tpu.memory_space<vmem>>
          %dma_wait3A_522 = tpu.memref_squeeze %dma_wait3A_521 : memref<1x128xi32, #tpu.memory_space<vmem>> -> memref<128xi32, #tpu.memory_space<vmem>>
          %dma_wait3A_523 = arith.constant 0 : i32
          %dma_wait3A_524 = arith.constant 0 : i32
          %dma_wait3A_525 = tpu.memref_slice %arg2[%dma_wait3A_523, %dma_wait3A_524] : memref<1000000x32xf32, #tpu.memory_space<hbm>> -> memref<1000000x32xf32, #tpu.memory_space<hbm>>
          tpu.wait_indirect_dma semaphore(%arg5 : memref<!tpu.dma_semaphore, #tpu.memory_space<semaphore_mem>>) src(%dma_wait3A_525 : memref<1000000x32xf32, #tpu.memory_space<hbm>>) dst(%dma_wait3A_515 : memref<128x32xf32, #tpu.memory_space<vmem>>)
          %dma_wait3A_526 = arith.constant 0 : i32
          %dma_wait3A_527 = arith.constant 0 : i32
          %dma_wait3A_528 = arith.constant 0 : i32
          %dma_wait3A_529 = tpu.memref_slice %run_scoped3A_20[%rem3A_346, %dma_wait3A_527, %dma_wait3A_528] : memref<2x1024x32xf32, #tpu.memory_space<vmem>> -> memref<1x1024x32xf32, #tpu.memory_space<vmem>>
          %dma_wait3A_530 = tpu.memref_squeeze %dma_wait3A_529 : memref<1x1024x32xf32, #tpu.memory_space<vmem>> -> memref<1024x32xf32, #tpu.memory_space<vmem>>
          %dma_wait3A_531 = arith.constant 256 : i32
          %dma_wait3A_532 = arith.constant 0 : i32
          %dma_wait3A_533 = tpu.memref_slice %dma_wait3A_530[%dma_wait3A_531, %dma_wait3A_532] : memref<1024x32xf32, #tpu.memory_space<vmem>> -> memref<128x32xf32, #tpu.memory_space<vmem>>
          %dma_wait3A_534 = arith.constant 0 : i32
          %dma_wait3A_535 = arith.constant 0 : i32
          %dma_wait3A_536 = tpu.memref_slice %run_scoped3A[%rem3A_344, %dma_wait3A_534, %dma_wait3A_535] : memref<2x1x1024xi32, #tpu.memory_space<vmem>> -> memref<1x1x1024xi32, #tpu.memory_space<vmem>>
          %dma_wait3A_537 = tpu.memref_squeeze %dma_wait3A_536 : memref<1x1x1024xi32, #tpu.memory_space<vmem>> -> memref<1x1024xi32, #tpu.memory_space<vmem>>
          %dma_wait3A_538 = arith.constant 256 : i32
          %dma_wait3A_539 = tpu.memref_slice %dma_wait3A_537[%dma_wait3A_526, %dma_wait3A_538] : memref<1x1024xi32, #tpu.memory_space<vmem>> -> memref<1x128xi32, #tpu.memory_space<vmem>>
          %dma_wait3A_540 = tpu.memref_squeeze %dma_wait3A_539 : memref<1x128xi32, #tpu.memory_space<vmem>> -> memref<128xi32, #tpu.memory_space<vmem>>
          %dma_wait3A_541 = arith.constant 0 : i32
          %dma_wait3A_542 = arith.constant 0 : i32
          %dma_wait3A_543 = tpu.memref_slice %arg2[%dma_wait3A_541, %dma_wait3A_542] : memref<1000000x32xf32, #tpu.memory_space<hbm>> -> memref<1000000x32xf32, #tpu.memory_space<hbm>>
          tpu.wait_indirect_dma semaphore(%arg5 : memref<!tpu.dma_semaphore, #tpu.memory_space<semaphore_mem>>) src(%dma_wait3A_543 : memref<1000000x32xf32, #tpu.memory_space<hbm>>) dst(%dma_wait3A_533 : memref<128x32xf32, #tpu.memory_space<vmem>>)
          %dma_wait3A_544 = arith.constant 0 : i32
          %dma_wait3A_545 = arith.constant 0 : i32
          %dma_wait3A_546 = arith.constant 0 : i32
          %dma_wait3A_547 = tpu.memref_slice %run_scoped3A_20[%rem3A_346, %dma_wait3A_545, %dma_wait3A_546] : memref<2x1024x32xf32, #tpu.memory_space<vmem>> -> memref<1x1024x32xf32, #tpu.memory_space<vmem>>
          %dma_wait3A_548 = tpu.memref_squeeze %dma_wait3A_547 : memref<1x1024x32xf32, #tpu.memory_space<vmem>> -> memref<1024x32xf32, #tpu.memory_space<vmem>>
          %dma_wait3A_549 = arith.constant 384 : i32
          %dma_wait3A_550 = arith.constant 0 : i32
          %dma_wait3A_551 = tpu.memref_slice %dma_wait3A_548[%dma_wait3A_549, %dma_wait3A_550] : memref<1024x32xf32, #tpu.memory_space<vmem>> -> memref<128x32xf32, #tpu.memory_space<vmem>>
          %dma_wait3A_552 = arith.constant 0 : i32
          %dma_wait3A_553 = arith.constant 0 : i32
          %dma_wait3A_554 = tpu.memref_slice %run_scoped3A[%rem3A_344, %dma_wait3A_552, %dma_wait3A_553] : memref<2x1x1024xi32, #tpu.memory_space<vmem>> -> memref<1x1x1024xi32, #tpu.memory_space<vmem>>
          %dma_wait3A_555 = tpu.memref_squeeze %dma_wait3A_554 : memref<1x1x1024xi32, #tpu.memory_space<vmem>> -> memref<1x1024xi32, #tpu.memory_space<vmem>>
          %dma_wait3A_556 = arith.constant 384 : i32
          %dma_wait3A_557 = tpu.memref_slice %dma_wait3A_555[%dma_wait3A_544, %dma_wait3A_556] : memref<1x1024xi32, #tpu.memory_space<vmem>> -> memref<1x128xi32, #tpu.memory_space<vmem>>
          %dma_wait3A_558 = tpu.memref_squeeze %dma_wait3A_557 : memref<1x128xi32, #tpu.memory_space<vmem>> -> memref<128xi32, #tpu.memory_space<vmem>>
          %dma_wait3A_559 = arith.constant 0 : i32
          %dma_wait3A_560 = arith.constant 0 : i32
          %dma_wait3A_561 = tpu.memref_slice %arg2[%dma_wait3A_559, %dma_wait3A_560] : memref<1000000x32xf32, #tpu.memory_space<hbm>> -> memref<1000000x32xf32, #tpu.memory_space<hbm>>
          tpu.wait_indirect_dma semaphore(%arg5 : memref<!tpu.dma_semaphore, #tpu.memory_space<semaphore_mem>>) src(%dma_wait3A_561 : memref<1000000x32xf32, #tpu.memory_space<hbm>>) dst(%dma_wait3A_551 : memref<128x32xf32, #tpu.memory_space<vmem>>)
          %dma_wait3A_562 = arith.constant 0 : i32
          %dma_wait3A_563 = arith.constant 0 : i32
          %dma_wait3A_564 = arith.constant 0 : i32
          %dma_wait3A_565 = tpu.memref_slice %run_scoped3A_20[%rem3A_346, %dma_wait3A_563, %dma_wait3A_564] : memref<2x1024x32xf32, #tpu.memory_space<vmem>> -> memref<1x1024x32xf32, #tpu.memory_space<vmem>>
          %dma_wait3A_566 = tpu.memref_squeeze %dma_wait3A_565 : memref<1x1024x32xf32, #tpu.memory_space<vmem>> -> memref<1024x32xf32, #tpu.memory_space<vmem>>
          %dma_wait3A_567 = arith.constant 512 : i32
          %dma_wait3A_568 = arith.constant 0 : i32
          %dma_wait3A_569 = tpu.memref_slice %dma_wait3A_566[%dma_wait3A_567, %dma_wait3A_568] : memref<1024x32xf32, #tpu.memory_space<vmem>> -> memref<128x32xf32, #tpu.memory_space<vmem>>
          %dma_wait3A_570 = arith.constant 0 : i32
          %dma_wait3A_571 = arith.constant 0 : i32
          %dma_wait3A_572 = tpu.memref_slice %run_scoped3A[%rem3A_344, %dma_wait3A_570, %dma_wait3A_571] : memref<2x1x1024xi32, #tpu.memory_space<vmem>> -> memref<1x1x1024xi32, #tpu.memory_space<vmem>>
          %dma_wait3A_573 = tpu.memref_squeeze %dma_wait3A_572 : memref<1x1x1024xi32, #tpu.memory_space<vmem>> -> memref<1x1024xi32, #tpu.memory_space<vmem>>
          %dma_wait3A_574 = arith.constant 512 : i32
          %dma_wait3A_575 = tpu.memref_slice %dma_wait3A_573[%dma_wait3A_562, %dma_wait3A_574] : memref<1x1024xi32, #tpu.memory_space<vmem>> -> memref<1x128xi32, #tpu.memory_space<vmem>>
          %dma_wait3A_576 = tpu.memref_squeeze %dma_wait3A_575 : memref<1x128xi32, #tpu.memory_space<vmem>> -> memref<128xi32, #tpu.memory_space<vmem>>
          %dma_wait3A_577 = arith.constant 0 : i32
          %dma_wait3A_578 = arith.constant 0 : i32
          %dma_wait3A_579 = tpu.memref_slice %arg2[%dma_wait3A_577, %dma_wait3A_578] : memref<1000000x32xf32, #tpu.memory_space<hbm>> -> memref<1000000x32xf32, #tpu.memory_space<hbm>>
          tpu.wait_indirect_dma semaphore(%arg5 : memref<!tpu.dma_semaphore, #tpu.memory_space<semaphore_mem>>) src(%dma_wait3A_579 : memref<1000000x32xf32, #tpu.memory_space<hbm>>) dst(%dma_wait3A_569 : memref<128x32xf32, #tpu.memory_space<vmem>>)
          %dma_wait3A_580 = arith.constant 0 : i32
          %dma_wait3A_581 = arith.constant 0 : i32
          %dma_wait3A_582 = arith.constant 0 : i32
          %dma_wait3A_583 = tpu.memref_slice %run_scoped3A_20[%rem3A_346, %dma_wait3A_581, %dma_wait3A_582] : memref<2x1024x32xf32, #tpu.memory_space<vmem>> -> memref<1x1024x32xf32, #tpu.memory_space<vmem>>
          %dma_wait3A_584 = tpu.memref_squeeze %dma_wait3A_583 : memref<1x1024x32xf32, #tpu.memory_space<vmem>> -> memref<1024x32xf32, #tpu.memory_space<vmem>>
          %dma_wait3A_585 = arith.constant 640 : i32
          %dma_wait3A_586 = arith.constant 0 : i32
          %dma_wait3A_587 = tpu.memref_slice %dma_wait3A_584[%dma_wait3A_585, %dma_wait3A_586] : memref<1024x32xf32, #tpu.memory_space<vmem>> -> memref<128x32xf32, #tpu.memory_space<vmem>>
          %dma_wait3A_588 = arith.constant 0 : i32
          %dma_wait3A_589 = arith.constant 0 : i32
          %dma_wait3A_590 = tpu.memref_slice %run_scoped3A[%rem3A_344, %dma_wait3A_588, %dma_wait3A_589] : memref<2x1x1024xi32, #tpu.memory_space<vmem>> -> memref<1x1x1024xi32, #tpu.memory_space<vmem>>
          %dma_wait3A_591 = tpu.memref_squeeze %dma_wait3A_590 : memref<1x1x1024xi32, #tpu.memory_space<vmem>> -> memref<1x1024xi32, #tpu.memory_space<vmem>>
          %dma_wait3A_592 = arith.constant 640 : i32
          %dma_wait3A_593 = tpu.memref_slice %dma_wait3A_591[%dma_wait3A_580, %dma_wait3A_592] : memref<1x1024xi32, #tpu.memory_space<vmem>> -> memref<1x128xi32, #tpu.memory_space<vmem>>
          %dma_wait3A_594 = tpu.memref_squeeze %dma_wait3A_593 : memref<1x128xi32, #tpu.memory_space<vmem>> -> memref<128xi32, #tpu.memory_space<vmem>>
          %dma_wait3A_595 = arith.constant 0 : i32
          %dma_wait3A_596 = arith.constant 0 : i32
          %dma_wait3A_597 = tpu.memref_slice %arg2[%dma_wait3A_595, %dma_wait3A_596] : memref<1000000x32xf32, #tpu.memory_space<hbm>> -> memref<1000000x32xf32, #tpu.memory_space<hbm>>
          tpu.wait_indirect_dma semaphore(%arg5 : memref<!tpu.dma_semaphore, #tpu.memory_space<semaphore_mem>>) src(%dma_wait3A_597 : memref<1000000x32xf32, #tpu.memory_space<hbm>>) dst(%dma_wait3A_587 : memref<128x32xf32, #tpu.memory_space<vmem>>)
          %dma_wait3A_598 = arith.constant 0 : i32
          %dma_wait3A_599 = arith.constant 0 : i32
          %dma_wait3A_600 = arith.constant 0 : i32
          %dma_wait3A_601 = tpu.memref_slice %run_scoped3A_20[%rem3A_346, %dma_wait3A_599, %dma_wait3A_600] : memref<2x1024x32xf32, #tpu.memory_space<vmem>> -> memref<1x1024x32xf32, #tpu.memory_space<vmem>>
          %dma_wait3A_602 = tpu.memref_squeeze %dma_wait3A_601 : memref<1x1024x32xf32, #tpu.memory_space<vmem>> -> memref<1024x32xf32, #tpu.memory_space<vmem>>
          %dma_wait3A_603 = arith.constant 768 : i32
          %dma_wait3A_604 = arith.constant 0 : i32
          %dma_wait3A_605 = tpu.memref_slice %dma_wait3A_602[%dma_wait3A_603, %dma_wait3A_604] : memref<1024x32xf32, #tpu.memory_space<vmem>> -> memref<128x32xf32, #tpu.memory_space<vmem>>
          %dma_wait3A_606 = arith.constant 0 : i32
          %dma_wait3A_607 = arith.constant 0 : i32
          %dma_wait3A_608 = tpu.memref_slice %run_scoped3A[%rem3A_344, %dma_wait3A_606, %dma_wait3A_607] : memref<2x1x1024xi32, #tpu.memory_space<vmem>> -> memref<1x1x1024xi32, #tpu.memory_space<vmem>>
          %dma_wait3A_609 = tpu.memref_squeeze %dma_wait3A_608 : memref<1x1x1024xi32, #tpu.memory_space<vmem>> -> memref<1x1024xi32, #tpu.memory_space<vmem>>
          %dma_wait3A_610 = arith.constant 768 : i32
          %dma_wait3A_611 = tpu.memref_slice %dma_wait3A_609[%dma_wait3A_598, %dma_wait3A_610] : memref<1x1024xi32, #tpu.memory_space<vmem>> -> memref<1x128xi32, #tpu.memory_space<vmem>>
          %dma_wait3A_612 = tpu.memref_squeeze %dma_wait3A_611 : memref<1x128xi32, #tpu.memory_space<vmem>> -> memref<128xi32, #tpu.memory_space<vmem>>
          %dma_wait3A_613 = arith.constant 0 : i32
          %dma_wait3A_614 = arith.constant 0 : i32
          %dma_wait3A_615 = tpu.memref_slice %arg2[%dma_wait3A_613, %dma_wait3A_614] : memref<1000000x32xf32, #tpu.memory_space<hbm>> -> memref<1000000x32xf32, #tpu.memory_space<hbm>>
          tpu.wait_indirect_dma semaphore(%arg5 : memref<!tpu.dma_semaphore, #tpu.memory_space<semaphore_mem>>) src(%dma_wait3A_615 : memref<1000000x32xf32, #tpu.memory_space<hbm>>) dst(%dma_wait3A_605 : memref<128x32xf32, #tpu.memory_space<vmem>>)
          %dma_wait3A_616 = arith.constant 0 : i32
          %dma_wait3A_617 = arith.constant 0 : i32
          %dma_wait3A_618 = arith.constant 0 : i32
          %dma_wait3A_619 = tpu.memref_slice %run_scoped3A_20[%rem3A_346, %dma_wait3A_617, %dma_wait3A_618] : memref<2x1024x32xf32, #tpu.memory_space<vmem>> -> memref<1x1024x32xf32, #tpu.memory_space<vmem>>
          %dma_wait3A_620 = tpu.memref_squeeze %dma_wait3A_619 : memref<1x1024x32xf32, #tpu.memory_space<vmem>> -> memref<1024x32xf32, #tpu.memory_space<vmem>>
          %dma_wait3A_621 = arith.constant 896 : i32
          %dma_wait3A_622 = arith.constant 0 : i32
          %dma_wait3A_623 = tpu.memref_slice %dma_wait3A_620[%dma_wait3A_621, %dma_wait3A_622] : memref<1024x32xf32, #tpu.memory_space<vmem>> -> memref<128x32xf32, #tpu.memory_space<vmem>>
          %dma_wait3A_624 = arith.constant 0 : i32
          %dma_wait3A_625 = arith.constant 0 : i32
          %dma_wait3A_626 = tpu.memref_slice %run_scoped3A[%rem3A_344, %dma_wait3A_624, %dma_wait3A_625] : memref<2x1x1024xi32, #tpu.memory_space<vmem>> -> memref<1x1x1024xi32, #tpu.memory_space<vmem>>
          %dma_wait3A_627 = tpu.memref_squeeze %dma_wait3A_626 : memref<1x1x1024xi32, #tpu.memory_space<vmem>> -> memref<1x1024xi32, #tpu.memory_space<vmem>>
          %dma_wait3A_628 = arith.constant 896 : i32
          %dma_wait3A_629 = tpu.memref_slice %dma_wait3A_627[%dma_wait3A_616, %dma_wait3A_628] : memref<1x1024xi32, #tpu.memory_space<vmem>> -> memref<1x128xi32, #tpu.memory_space<vmem>>
          %dma_wait3A_630 = tpu.memref_squeeze %dma_wait3A_629 : memref<1x128xi32, #tpu.memory_space<vmem>> -> memref<128xi32, #tpu.memory_space<vmem>>
          %dma_wait3A_631 = arith.constant 0 : i32
          %dma_wait3A_632 = arith.constant 0 : i32
          %dma_wait3A_633 = tpu.memref_slice %arg2[%dma_wait3A_631, %dma_wait3A_632] : memref<1000000x32xf32, #tpu.memory_space<hbm>> -> memref<1000000x32xf32, #tpu.memory_space<hbm>>
          tpu.wait_indirect_dma semaphore(%arg5 : memref<!tpu.dma_semaphore, #tpu.memory_space<semaphore_mem>>) src(%dma_wait3A_633 : memref<1000000x32xf32, #tpu.memory_space<hbm>>) dst(%dma_wait3A_623 : memref<128x32xf32, #tpu.memory_space<vmem>>)
          "tpu.trace_stop"() : () -> ()
          %ne3A_634 = arith.cmpi ne, %add3A_228, %add3A_264 : i32
          %ne3A_635 = arith.cmpi ne, %add3A_230, %add3A_266 : i32
          %or3A_636 = arith.constant false
          %or3A_637 = arith.ori %or3A_636, %ne3A_634 : i1
          %or3A_638 = arith.ori %or3A_637, %ne3A_635 : i1
          %or3A_639 = arith.ori %or3A_638, %eq3A_227 : i1
          %convert_element_type3A_640 = arith.extui %or3A_639 : i1 to i32
          %cond3A_641 = arith.constant 0 : i32
          %cond3A_642 = arith.cmpi ne, %convert_element_type3A_640, %cond3A_641 : i32
          scf.if %cond3A_642 {
          } else {
          }
          %and3A_643 = arith.constant false
          %and3A_644 = arith.andi %or3A_639, %and3A_643 : i1
          %mul3A_645 = arith.constant 16 : i32
          %mul3A_646 = arith.muli %add3A_228, %mul3A_645 : i32
          %add3A_647 = arith.addi %mul3A_646, %add3A_230 : i32
          %mul3A_648 = arith.constant 16 : i32
          %mul3A_649 = arith.muli %add3A_264, %mul3A_648 : i32
          %add3A_650 = arith.addi %mul3A_649, %add3A_266 : i32
          %ne3A_651 = arith.cmpi ne, %add3A_647, %add3A_650 : i32
          %or3A_652 = arith.constant false
          %or3A_653 = arith.ori %or3A_652, %ne3A_651 : i1
          %or3A_654 = arith.constant false
          %or3A_655 = arith.ori %or3A_653, %or3A_654 : i1
          %or3A_656 = arith.ori %or3A_655, %eq3A_227 : i1
          %convert_element_type3A_657 = arith.extui %or3A_656 : i1 to i32
          %cond3A_658 = arith.constant 0 : i32
          %cond3A_659 = arith.cmpi ne, %convert_element_type3A_657, %cond3A_658 : i32
          scf.if %cond3A_659 {
            "tpu.trace_start"() <{level = 10 : i32, message = "ep_copy_out"}> : () -> ()
            %rem3A_723 = arith.constant 2 : i32
            %rem3A_724 = arith.remui %while3A_215, %rem3A_723 : i32
            %mul3A_725 = arith.constant 16 : i32
            %mul3A_726 = arith.muli %add3A_228, %mul3A_725 : i32
            %add3A_727 = arith.addi %mul3A_726, %add3A_230 : i32
            %mul3A_728 = arith.constant 1024 : i32
            %mul3A_729 = arith.muli %mul3A_728, %add3A_727 : i32
            %dma_start3A_730 = arith.constant 0 : i32
            %dma_start3A_731 = arith.constant 0 : i32
            %dma_start3A_732 = tpu.memref_slice %run_scoped3A_20[%rem3A_724, %dma_start3A_730, %dma_start3A_731] : memref<2x1024x32xf32, #tpu.memory_space<vmem>> -> memref<1x1024x32xf32, #tpu.memory_space<vmem>>
            %dma_start3A_733 = tpu.memref_squeeze %dma_start3A_732 : memref<1x1024x32xf32, #tpu.memory_space<vmem>> -> memref<1024x32xf32, #tpu.memory_space<vmem>>
            %dma_start3A_734 = arith.constant 0 : i32
            %dma_start3A_735 = tpu.memref_slice %arg4[%mul3A_729, %dma_start3A_734] : memref<819200x32xf32, #tpu.memory_space<hbm>> -> memref<1024x32xf32, #tpu.memory_space<hbm>>
            %dma_start3A_736 = tpu.memref_slice %run_scoped3A_21[%rem3A_724] : memref<2x!tpu.dma_semaphore, #tpu.memory_space<semaphore_mem>> -> memref<1x!tpu.dma_semaphore, #tpu.memory_space<semaphore_mem>>
            %dma_start3A_737 = tpu.memref_squeeze %dma_start3A_736 : memref<1x!tpu.dma_semaphore, #tpu.memory_space<semaphore_mem>> -> memref<!tpu.dma_semaphore, #tpu.memory_space<semaphore_mem>>
            %dma_start3A_738 = arith.constant 0 : i32
            %dma_start3A_739 = tpu.memref_slice %arg4[%mul3A_729, %dma_start3A_738] : memref<819200x32xf32, #tpu.memory_space<hbm>> -> memref<1024x32xf32, #tpu.memory_space<hbm>>
            %dma_start3A_740 = arith.constant 0 : i32
            %dma_start3A_741 = arith.constant 0 : i32
            %dma_start3A_742 = tpu.memref_slice %run_scoped3A_20[%rem3A_724, %dma_start3A_740, %dma_start3A_741] : memref<2x1024x32xf32, #tpu.memory_space<vmem>> -> memref<1x1024x32xf32, #tpu.memory_space<vmem>>
            %dma_start3A_743 = tpu.memref_squeeze %dma_start3A_742 : memref<1x1024x32xf32, #tpu.memory_space<vmem>> -> memref<1024x32xf32, #tpu.memory_space<vmem>>
            tpu.enqueue_dma source(%dma_start3A_743 : memref<1024x32xf32, #tpu.memory_space<vmem>>) target(%dma_start3A_739 : memref<1024x32xf32, #tpu.memory_space<hbm>>) target_semaphore(%dma_start3A_737 : memref<!tpu.dma_semaphore, #tpu.memory_space<semaphore_mem>>)
            "tpu.trace_stop"() : () -> ()
          } else {
          }
          %and3A_660 = arith.constant true
          %and3A_661 = arith.andi %or3A_656, %and3A_660 : i1
          %add3A_662 = arith.constant 1 : i32
          %add3A_663 = arith.addi %while3A_215, %add3A_662 : i32
          %select_n3A_664 = arith.select %and3A_661, %add3A_663, %while3A_215 : i32
          %ne3A_665 = arith.cmpi ne, %add3A_228, %add3A_247 : i32
          %ne3A_666 = arith.cmpi ne, %add3A_230, %add3A_249 : i32
          %or3A_667 = arith.constant false
          %or3A_668 = arith.ori %or3A_667, %ne3A_665 : i1
          %or3A_669 = arith.ori %or3A_668, %ne3A_666 : i1
          %not3A_670 = arith.constant true
          %not3A_671 = arith.xori %eq3A_224, %not3A_670 : i1
          %and3A_672 = arith.andi %or3A_669, %not3A_671 : i1
          %convert_element_type3A_673 = arith.extui %and3A_672 : i1 to i32
          %cond3A_674 = arith.constant 0 : i32
          %cond3A_675 = arith.cmpi ne, %convert_element_type3A_673, %cond3A_674 : i32
          scf.if %cond3A_675 {
          } else {
          }
          %and3A_676 = arith.constant false
          %and3A_677 = arith.andi %and3A_672, %and3A_676 : i1
          %mul3A_678 = arith.constant 16 : i32
          %mul3A_679 = arith.muli %add3A_228, %mul3A_678 : i32
          %add3A_680 = arith.addi %mul3A_679, %add3A_230 : i32
          %mul3A_681 = arith.constant 16 : i32
          %mul3A_682 = arith.muli %add3A_247, %mul3A_681 : i32
          %add3A_683 = arith.addi %mul3A_682, %add3A_249 : i32
          %ne3A_684 = arith.cmpi ne, %add3A_680, %add3A_683 : i32
          %or3A_685 = arith.constant false
          %or3A_686 = arith.ori %or3A_685, %ne3A_684 : i1
          %or3A_687 = arith.constant false
          %or3A_688 = arith.ori %or3A_686, %or3A_687 : i1
          %not3A_689 = arith.constant true
          %not3A_690 = arith.xori %eq3A_224, %not3A_689 : i1
          %and3A_691 = arith.andi %or3A_688, %not3A_690 : i1
          %convert_element_type3A_692 = arith.extui %and3A_691 : i1 to i32
          %cond3A_693 = arith.constant 0 : i32
          %cond3A_694 = arith.cmpi ne, %convert_element_type3A_692, %cond3A_693 : i32
          scf.if %cond3A_694 {
            "tpu.trace_start"() <{level = 10 : i32, message = "ep_wait_out"}> : () -> ()
            %rem3A_723 = arith.constant 2 : i32
            %rem3A_724 = arith.remui %while3A_216, %rem3A_723 : i32
            %mul3A_725 = arith.constant 16 : i32
            %mul3A_726 = arith.muli %add3A_247, %mul3A_725 : i32
            %add3A_727 = arith.addi %mul3A_726, %add3A_249 : i32
            %mul3A_728 = arith.constant 1024 : i32
            %mul3A_729 = arith.muli %mul3A_728, %add3A_727 : i32
            %dma_wait3A_730 = arith.constant 0 : i32
            %dma_wait3A_731 = arith.constant 0 : i32
            %dma_wait3A_732 = tpu.memref_slice %run_scoped3A_20[%rem3A_724, %dma_wait3A_730, %dma_wait3A_731] : memref<2x1024x32xf32, #tpu.memory_space<vmem>> -> memref<1x1024x32xf32, #tpu.memory_space<vmem>>
            %dma_wait3A_733 = tpu.memref_squeeze %dma_wait3A_732 : memref<1x1024x32xf32, #tpu.memory_space<vmem>> -> memref<1024x32xf32, #tpu.memory_space<vmem>>
            %dma_wait3A_734 = arith.constant 0 : i32
            %dma_wait3A_735 = tpu.memref_slice %arg4[%mul3A_729, %dma_wait3A_734] : memref<819200x32xf32, #tpu.memory_space<hbm>> -> memref<1024x32xf32, #tpu.memory_space<hbm>>
            %dma_wait3A_736 = tpu.memref_slice %run_scoped3A_21[%rem3A_724] : memref<2x!tpu.dma_semaphore, #tpu.memory_space<semaphore_mem>> -> memref<1x!tpu.dma_semaphore, #tpu.memory_space<semaphore_mem>>
            %dma_wait3A_737 = tpu.memref_squeeze %dma_wait3A_736 : memref<1x!tpu.dma_semaphore, #tpu.memory_space<semaphore_mem>> -> memref<!tpu.dma_semaphore, #tpu.memory_space<semaphore_mem>>
            %dma_wait3A_738 = arith.constant 0 : i32
            %dma_wait3A_739 = tpu.memref_slice %arg4[%mul3A_729, %dma_wait3A_738] : memref<819200x32xf32, #tpu.memory_space<hbm>> -> memref<1024x32xf32, #tpu.memory_space<hbm>>
            %dma_wait3A_740 = arith.constant 0 : i32
            %dma_wait3A_741 = arith.constant 0 : i32
            %dma_wait3A_742 = tpu.memref_slice %run_scoped3A_20[%rem3A_724, %dma_wait3A_740, %dma_wait3A_741] : memref<2x1024x32xf32, #tpu.memory_space<vmem>> -> memref<1x1024x32xf32, #tpu.memory_space<vmem>>
            %dma_wait3A_743 = tpu.memref_squeeze %dma_wait3A_742 : memref<1x1024x32xf32, #tpu.memory_space<vmem>> -> memref<1024x32xf32, #tpu.memory_space<vmem>>
            tpu.wait_dma2 semaphore(%dma_wait3A_737 : memref<!tpu.dma_semaphore, #tpu.memory_space<semaphore_mem>>) src(%dma_wait3A_743 : memref<1024x32xf32, #tpu.memory_space<vmem>>) dst(%dma_wait3A_739 : memref<1024x32xf32, #tpu.memory_space<hbm>>)
            "tpu.trace_stop"() : () -> ()
          } else {
          }
          %and3A_695 = arith.constant true
          %and3A_696 = arith.andi %and3A_691, %and3A_695 : i1
          %add3A_697 = arith.constant 1 : i32
          %add3A_698 = arith.addi %while3A_216, %add3A_697 : i32
          %select_n3A_699 = arith.select %and3A_696, %add3A_698, %while3A_216 : i32
          %ne3A_700 = arith.cmpi ne, %add3A_228, %add3A_264 : i32
          %ne3A_701 = arith.cmpi ne, %add3A_230, %add3A_266 : i32
          %or3A_702 = arith.constant false
          %or3A_703 = arith.ori %or3A_702, %ne3A_700 : i1
          %or3A_704 = arith.ori %or3A_703, %ne3A_701 : i1
          %or3A_705 = arith.ori %or3A_704, %eq3A_227 : i1
          %add3A_706 = arith.constant 1 : i32
          %add3A_707 = arith.addi %while3A_214, %add3A_706 : i32
          %select_n3A_708 = arith.select %or3A_705, %add3A_707, %while3A_214 : i32
          %add3A_709 = arith.constant 1 : i32
          %add3A_710 = arith.addi %while3A_218, %add3A_709 : i32
          %select_n3A_711 = arith.constant true
          %select_n3A_712 = arith.select %select_n3A_711, %add3A_710, %while3A_218 : i32
          %eq3A_713 = arith.constant 16 : i32
          %eq3A_714 = arith.cmpi eq, %select_n3A_712, %eq3A_713 : i32
          %select_n3A_715 = arith.constant 0 : i32
          %select_n3A_716 = arith.select %eq3A_714, %select_n3A_715, %select_n3A_712 : i32
          %add3A_717 = arith.constant 1 : i32
          %add3A_718 = arith.addi %while3A_217, %add3A_717 : i32
          %select_n3A_719 = arith.select %eq3A_714, %add3A_718, %while3A_217 : i32
          %eq3A_720 = arith.cmpi eq, %select_n3A_719, %select_n3A : i32
          %select_n3A_721 = arith.constant 0 : i32
          %select_n3A_722 = arith.select %eq3A_720, %select_n3A_721, %select_n3A_719 : i32
          scf.yield %select_n3A_299, %select_n3A_708, %select_n3A_664, %select_n3A_699, %select_n3A_722, %select_n3A_716 : i32, i32, i32, i32, i32, i32
        }
        %sub3A_123 = arith.constant 1 : i32
        %sub3A_124 = arith.subi %while3A_122#5, %sub3A_123 : i32
        %select_n3A_125 = arith.constant true
        %select_n3A_126 = arith.select %select_n3A_125, %sub3A_124, %while3A_122#5 : i32
        %eq3A_127 = arith.constant -1 : i32
        %eq3A_128 = arith.cmpi eq, %select_n3A_126, %eq3A_127 : i32
        %select_n3A_129 = arith.constant 15 : i32
        %select_n3A_130 = arith.select %eq3A_128, %select_n3A_129, %select_n3A_126 : i32
        %sub3A_131 = arith.constant 1 : i32
        %sub3A_132 = arith.subi %while3A_122#4, %sub3A_131 : i32
        %select_n3A_133 = arith.select %eq3A_128, %sub3A_132, %while3A_122#4 : i32
        %eq3A_134 = arith.constant -1 : i32
        %eq3A_135 = arith.cmpi eq, %select_n3A_133, %eq3A_134 : i32
        %sub3A_136 = arith.constant 1 : i32
        %sub3A_137 = arith.subi %select_n3A, %sub3A_136 : i32
        %select_n3A_138 = arith.select %eq3A_135, %sub3A_137, %select_n3A_133 : i32
        %sub3A_139 = arith.constant 1 : i32
        %sub3A_140 = arith.subi %mul3A_18, %sub3A_139 : i32
        %mul3A_141 = arith.constant 1 : i32
        %mul3A_142 = arith.muli %mul3A_141, %select_n3A : i32
        %mul3A_143 = arith.constant 16 : i32
        %mul3A_144 = arith.muli %mul3A_142, %mul3A_143 : i32
        %eq3A_145 = arith.constant 0 : i32
        %eq3A_146 = arith.cmpi eq, %sub3A_140, %eq3A_145 : i32
        %sub3A_147 = arith.constant 1 : i32
        %sub3A_148 = arith.subi %mul3A_144, %sub3A_147 : i32
        %eq3A_149 = arith.cmpi eq, %sub3A_140, %sub3A_148 : i32
        %add3A_150 = arith.addi %select_n3A_138, %select_n3A_14 : i32
        %add3A_151 = arith.constant 0 : i32
        %add3A_152 = arith.addi %select_n3A_130, %add3A_151 : i32
        %sub3A_153 = arith.constant 1 : i32
        %sub3A_154 = arith.subi %select_n3A_130, %sub3A_153 : i32
        %select_n3A_155 = arith.constant true
        %select_n3A_156 = arith.select %select_n3A_155, %sub3A_154, %select_n3A_130 : i32
        %eq3A_157 = arith.constant -1 : i32
        %eq3A_158 = arith.cmpi eq, %select_n3A_156, %eq3A_157 : i32
        %select_n3A_159 = arith.constant 15 : i32
        %select_n3A_160 = arith.select %eq3A_158, %select_n3A_159, %select_n3A_156 : i32
        %sub3A_161 = arith.constant 1 : i32
        %sub3A_162 = arith.subi %select_n3A_138, %sub3A_161 : i32
        %select_n3A_163 = arith.select %eq3A_158, %sub3A_162, %select_n3A_138 : i32
        %eq3A_164 = arith.constant -1 : i32
        %eq3A_165 = arith.cmpi eq, %select_n3A_163, %eq3A_164 : i32
        %sub3A_166 = arith.constant 1 : i32
        %sub3A_167 = arith.subi %select_n3A, %sub3A_166 : i32
        %select_n3A_168 = arith.select %eq3A_165, %sub3A_167, %select_n3A_163 : i32
        %add3A_169 = arith.addi %select_n3A_168, %select_n3A_14 : i32
        %add3A_170 = arith.constant 0 : i32
        %add3A_171 = arith.addi %select_n3A_160, %add3A_170 : i32
        %add3A_172 = arith.constant 1 : i32
        %add3A_173 = arith.addi %select_n3A_130, %add3A_172 : i32
        %select_n3A_174 = arith.constant true
        %select_n3A_175 = arith.select %select_n3A_174, %add3A_173, %select_n3A_130 : i32
        %eq3A_176 = arith.constant 16 : i32
        %eq3A_177 = arith.cmpi eq, %select_n3A_175, %eq3A_176 : i32
        %select_n3A_178 = arith.constant 0 : i32
        %select_n3A_179 = arith.select %eq3A_177, %select_n3A_178, %select_n3A_175 : i32
        %add3A_180 = arith.constant 1 : i32
        %add3A_181 = arith.addi %select_n3A_138, %add3A_180 : i32
        %select_n3A_182 = arith.select %eq3A_177, %add3A_181, %select_n3A_138 : i32
        %eq3A_183 = arith.cmpi eq, %select_n3A_182, %select_n3A : i32
        %select_n3A_184 = arith.constant 0 : i32
        %select_n3A_185 = arith.select %eq3A_183, %select_n3A_184, %select_n3A_182 : i32
        %add3A_186 = arith.addi %select_n3A_185, %select_n3A_14 : i32
        %add3A_187 = arith.constant 0 : i32
        %add3A_188 = arith.addi %select_n3A_179, %add3A_187 : i32
        %add3A_189 = arith.constant 1 : i32
        %add3A_190 = arith.addi %select_n3A_179, %add3A_189 : i32
        %select_n3A_191 = arith.constant true
        %select_n3A_192 = arith.select %select_n3A_191, %add3A_190, %select_n3A_179 : i32
        %eq3A_193 = arith.constant 16 : i32
        %eq3A_194 = arith.cmpi eq, %select_n3A_192, %eq3A_193 : i32
        %select_n3A_195 = arith.constant 0 : i32
        %select_n3A_196 = arith.select %eq3A_194, %select_n3A_195, %select_n3A_192 : i32
        %add3A_197 = arith.constant 1 : i32
        %add3A_198 = arith.addi %select_n3A_185, %add3A_197 : i32
        %select_n3A_199 = arith.select %eq3A_194, %add3A_198, %select_n3A_185 : i32
        %eq3A_200 = arith.cmpi eq, %select_n3A_199, %select_n3A : i32
        %select_n3A_201 = arith.constant 0 : i32
        %select_n3A_202 = arith.select %eq3A_200, %select_n3A_201, %select_n3A_199 : i32
        %add3A_203 = arith.addi %select_n3A_202, %select_n3A_14 : i32
        %add3A_204 = arith.constant 0 : i32
        %add3A_205 = arith.addi %select_n3A_196, %add3A_204 : i32
        %convert_element_type3A_206 = arith.extui %eq3A_149 : i1 to i32
        %cond3A_207 = arith.constant 0 : i32
        %cond3A_208 = arith.cmpi ne, %convert_element_type3A_206, %cond3A_207 : i32
        scf.if %cond3A_208 {
        } else {
        }
        %convert_element_type3A_209 = arith.extui %eq3A_149 : i1 to i32
        %cond3A_210 = arith.constant 0 : i32
        %cond3A_211 = arith.cmpi ne, %convert_element_type3A_209, %cond3A_210 : i32
        scf.if %cond3A_211 {
          "tpu.trace_start"() <{level = 10 : i32, message = "ep_finalize"}> : () -> ()
          %rem3A_212 = arith.constant 2 : i32
          %rem3A_213 = arith.remui %while3A_122#3, %rem3A_212 : i32
          %mul3A_214 = arith.constant 16 : i32
          %mul3A_215 = arith.muli %add3A_150, %mul3A_214 : i32
          %add3A_216 = arith.addi %mul3A_215, %add3A_152 : i32
          %mul3A_217 = arith.constant 1024 : i32
          %mul3A_218 = arith.muli %mul3A_217, %add3A_216 : i32
          %dma_wait3A = arith.constant 0 : i32
          %dma_wait3A_219 = arith.constant 0 : i32
          %dma_wait3A_220 = tpu.memref_slice %run_scoped3A_20[%rem3A_213, %dma_wait3A, %dma_wait3A_219] : memref<2x1024x32xf32, #tpu.memory_space<vmem>> -> memref<1x1024x32xf32, #tpu.memory_space<vmem>>
          %dma_wait3A_221 = tpu.memref_squeeze %dma_wait3A_220 : memref<1x1024x32xf32, #tpu.memory_space<vmem>> -> memref<1024x32xf32, #tpu.memory_space<vmem>>
          %dma_wait3A_222 = arith.constant 0 : i32
          %dma_wait3A_223 = tpu.memref_slice %arg4[%mul3A_218, %dma_wait3A_222] : memref<819200x32xf32, #tpu.memory_space<hbm>> -> memref<1024x32xf32, #tpu.memory_space<hbm>>
          %dma_wait3A_224 = tpu.memref_slice %run_scoped3A_21[%rem3A_213] : memref<2x!tpu.dma_semaphore, #tpu.memory_space<semaphore_mem>> -> memref<1x!tpu.dma_semaphore, #tpu.memory_space<semaphore_mem>>
          %dma_wait3A_225 = tpu.memref_squeeze %dma_wait3A_224 : memref<1x!tpu.dma_semaphore, #tpu.memory_space<semaphore_mem>> -> memref<!tpu.dma_semaphore, #tpu.memory_space<semaphore_mem>>
          %dma_wait3A_226 = arith.constant 0 : i32
          %dma_wait3A_227 = tpu.memref_slice %arg4[%mul3A_218, %dma_wait3A_226] : memref<819200x32xf32, #tpu.memory_space<hbm>> -> memref<1024x32xf32, #tpu.memory_space<hbm>>
          %dma_wait3A_228 = arith.constant 0 : i32
          %dma_wait3A_229 = arith.constant 0 : i32
          %dma_wait3A_230 = tpu.memref_slice %run_scoped3A_20[%rem3A_213, %dma_wait3A_228, %dma_wait3A_229] : memref<2x1024x32xf32, #tpu.memory_space<vmem>> -> memref<1x1024x32xf32, #tpu.memory_space<vmem>>
          %dma_wait3A_231 = tpu.memref_squeeze %dma_wait3A_230 : memref<1x1024x32xf32, #tpu.memory_space<vmem>> -> memref<1024x32xf32, #tpu.memory_space<vmem>>
          tpu.wait_dma2 semaphore(%dma_wait3A_225 : memref<!tpu.dma_semaphore, #tpu.memory_space<semaphore_mem>>) src(%dma_wait3A_231 : memref<1024x32xf32, #tpu.memory_space<vmem>>) dst(%dma_wait3A_227 : memref<1024x32xf32, #tpu.memory_space<hbm>>)
          "tpu.trace_stop"() : () -> ()
        } else {
        }
      } else {
      }
      tpu.yield
    }) : () -> ()
    return
  }
}

module attributes {stable_mosaic.version = 14 : i64} {
  func.func @body(%arg0: i32, %arg1: memref<32x8192xf32, #tpu.memory_space<vmem>>, %arg2: memref<2048x128xf32, #tpu.memory_space<vmem>>) attributes {dimension_semantics = [#tpu.dimension_semantics<parallel>], iteration_bounds = array<i64: 123>, scalar_prefetch = 0 : i64, scratch_operands = 0 : i64, tpu.core_type = #tpu.core_type<tc>, window_params = [{transform_indices = @transform_0, window_bounds = array<i64: 32, 8192>}, {transform_indices = @transform_1, window_bounds = array<i64: 2048, 128>}]} {
    %get3A = arith.constant 0 : index
    %get3A_0 = arith.constant 0 : index
    %get3A_1 = vector.load %arg1[%get3A, %get3A_0] : memref<32x8192xf32, #tpu.memory_space<vmem>>, vector<32x8192xf32>
    %transpose3A = tpu.transpose %get3A_1, [1, 0] : vector<32x8192xf32> -> vector<8192x32xf32>
    %reshape3A = vector.shape_cast %transpose3A : vector<8192x32xf32> to vector<2048x4x32xf32>
    %slice3A = vector.extract_strided_slice %reshape3A {offsets = [0, 0, 0], sizes = [2048, 1, 32], strides = [1, 1, 1]} : vector<2048x4x32xf32> to vector<2048x1x32xf32>
    %squeeze3A = vector.shape_cast %slice3A : vector<2048x1x32xf32> to vector<2048x32xf32>
    %slice3A_2 = vector.extract_strided_slice %reshape3A {offsets = [0, 1, 0], sizes = [2048, 1, 32], strides = [1, 1, 1]} : vector<2048x4x32xf32> to vector<2048x1x32xf32>
    %squeeze3A_3 = vector.shape_cast %slice3A_2 : vector<2048x1x32xf32> to vector<2048x32xf32>
    %slice3A_4 = vector.extract_strided_slice %reshape3A {offsets = [0, 2, 0], sizes = [2048, 1, 32], strides = [1, 1, 1]} : vector<2048x4x32xf32> to vector<2048x1x32xf32>
    %squeeze3A_5 = vector.shape_cast %slice3A_4 : vector<2048x1x32xf32> to vector<2048x32xf32>
    %slice3A_6 = vector.extract_strided_slice %reshape3A {offsets = [0, 3, 0], sizes = [2048, 1, 32], strides = [1, 1, 1]} : vector<2048x4x32xf32> to vector<2048x1x32xf32>
    %squeeze3A_7 = vector.shape_cast %slice3A_6 : vector<2048x1x32xf32> to vector<2048x32xf32>
    %concatenate3A = tpu.concatenate %squeeze3A, %squeeze3A_3, %squeeze3A_5, %squeeze3A_7 in 1 : vector<2048x32xf32>, vector<2048x32xf32>, vector<2048x32xf32>, vector<2048x32xf32> -> vector<2048x128xf32>
    %swap3A = arith.constant 0 : index
    %swap3A_8 = arith.constant 0 : index
    %swap3A_9 = vector.load %arg2[%swap3A, %swap3A_8] : memref<2048x128xf32, #tpu.memory_space<vmem>>, vector<2048x128xf32>
    tpu.vector_store %arg2[%swap3A, %swap3A_8], %concatenate3A {strides = array<i32>} : memref<2048x128xf32, #tpu.memory_space<vmem>>, vector<2048x128xf32>,
    return
  }
  func.func @transform_0(%arg0: i32) -> (i32, i32) {
    %c0_i32 = arith.constant 0 : i32
    %c0_i32_0 = arith.constant 0 : i32
    return %c0_i32, %arg0 : i32, i32
  }
  func.func @transform_1(%arg0: i32) -> (i32, i32) {
    %c0_i32 = arith.constant 0 : i32
    %c0_i32_0 = arith.constant 0 : i32
    return %arg0, %c0_i32 : i32, i32
  }
}

</mosaic_0001>

<sc_bundles>
// kernel: kernel.4.cloned.1.call-start
scs
__scs_entry_jumppad:
0x0: {  	(pc) =	sbr.rel $0x88, $3  }
0x1: {  	(tag) =	ssettag $0x0;
	lr =	simm.s32 $0x1  }
0x2: {  	[smem:$0x3F9F] =	sst lr;
	_ =	strace $0xD0000000  }
0x3: {  	_ = 	snop  }
0x4: {  	_ = 	snop  }
0x5: {  	_ = 	snop  }
0x6: {  	_ = 	snop  }
0x7: {  	_ = 	snop  }
__scs_overlays_trampoline_lowered:
0x8: {  	[smem:$0x3FAE] =	sst s0  }
0x9: {  	[smem:$0x3FAF] =	sst s1  }
0xa: {  	[smem:$0x3FB0] =	sst s2  }
0xb: {  	[smem:$0x3FB1] =	sst s3  }
0xc: {  	[smem:$0x3FB2] =	sst s4  }
0xd: {  	[smem:$0x3FB3] =	sst s5  }
0xe: {  	[smem:$0x3FB4] =	sst s6  }
0xf: {  	[smem:$0x3FB5] =	sst s7  }
0x10: {  	[smem:$0x3FB6] =	sst s8  }
0x11: {  	[smem:$0x3FB7] =	sst s9;
	s0 =	simm.s32 @!p0 $0x0  }
0x12: {  	s1 =	sld [smem:$0x3F9D];
	s0 =	simm.s32 @p0 $0x1  }
0x13: {  	[smem:$0x3FB8] =	sst s0;
	s0 =	simm.s32 @!p1 $0x0  }
0x14: {  	s2 =	sld [smem:$0x3F9C];
	s0 =	simm.s32 @p1 $0x1  }
0x15: {  	[smem:$0x3FB9] =	sst s0;
	s0 =	simm.s32 @!p2 $0x0  }
0x16: {  	s3 =	sld [smem:$0x3FDB];
	s0 =	simm.s32 @p2 $0x1  }
0x17: {  	s4 =	simm.s32 $0x1BF5;
	[smem:$0x3FBB] =	sst s0  }
0x18: {  	s0 =	sld [smem:$0x3F9E];
	_ =	swait.ge [sflag:s4], $0x0  }
0x19: {  	s7 =	sld [smem:$0x3F9F]  }
0x1a: {  	s8 =	sadd.s32 $0xFFFFE003, lr  }
0x1b: {  	s9 =	sadd.s32 $0xFFFFFEF7, lr;
	s5 =	simm.s32 $0xFFFFFFFF;
	p2 =	slt.u32 s8, $0xFFFFF086  }
0x1c: {  	p1 =	slt.u32 s9, $0xF7A;
	s5 =	simm.s32 @!p2 $0x0  }
0x1d: {  	s5 =	simm.s32 @p1 $0x1;
	p0 =	seq.s32 s7, s2  }
0x1e: {  	s7 =	smul.u32 @!p0 $0xF7A, s2;
	p2 =	seq.s32 @!p0 s5, $0x0  }
0x1f: {  	s9 =	smul.u32 $0xF7A, s1;
	s8 =	simm.s32 @!p0 $0x1BF5;
	p2 =	por !p2, p0  }
0x20: {  	[sflag:s8] =	ssyncset.s32 @!p0 $0xFFFFF086;
	s6 =	sadd.s32 @!p0 s3, s7;
	s7 =	simm.s32 @!p0 $0x108  }
0x21: {  	s3 =	sadd.s32 s3, s9;
	s6 =	sadd.s32 @!p0 $0x88, s6;
	s7 =	simm.s32 @p2 $0x1082  }
0x22: {  	[simem:s7], [sflag:s8] =	dma.local @!p0 [hbm:s6], $0xF7A  }
0x23: {  	s9 =	sor.u32 $0xD0000000, s2;
	s6 =	simm.s32 $0x108;
	_ =	swait.ge @!p0 [sflag:s8], $0x0  }
0x24: {  	s3 =	sadd.s32 $0x88, s3;
	s6 =	simm.s32 @!p1 $0x1082;
	[sflag:s4] =	ssyncset.s32 $0xFFFFF086  }
0x25: {  	[simem:s6], [sflag:s4] =	dma.local [hbm:s3], $0xF7A  }
0x26: {  	[smem:$0x3F9F] =	sst s1;
	(tag) =	ssettag s2;
	_ =	strace s9  }
0x27: {  	s1 =	sld [smem:$0x3FAF]  }
0x28: {  	s2 =	sld [smem:$0x3FB0]  }
0x29: {  	s4 =	sld [smem:$0x3FB2]  }
0x2a: {  	p0 =	seq.s32 s5, $0x0;
	s5 =	sld [smem:$0x3FB3]  }
0x2b: {  	s6 =	sld [smem:$0x3FB4]  }
0x2c: {  	s7 =	sld [smem:$0x3FB5]  }
0x2d: {  	s3 =	simm.s32 $0x108;
	s8 =	sld [smem:$0x3FB6]  }
0x2e: {  	s3 =	simm.s32 @!p0 $0x1082;
	s9 =	sld [smem:$0x3FB7]  }
0x2f: {  	lr =	sadd.s32 s0, s3;
	s0 =	sld [smem:$0x3FAE]  }
0x30: {  	s3 =	sld [smem:$0x3FB1]  }
0x31: {  	[smem:$0x3FBA] =	sst s10  }
0x32: {  	s10 =	sld [smem:$0x3FB8];
	_ =	sdelay $0x3  }
0x33: {  	p0 =	seq.s32 s10, $0x1;
	s10 =	sld [smem:$0x3FBA];
	_ =	sdelay $0x3  }
0x34: {  	[smem:$0x3FBA] =	sst s10  }
0x35: {  	s10 =	sld [smem:$0x3FB9];
	_ =	sdelay $0x3  }
0x36: {  	p1 =	seq.s32 s10, $0x1;
	s10 =	sld [smem:$0x3FBA];
	_ =	sdelay $0x3  }
0x37: {  	[smem:$0x3FBA] =	sst s10  }
0x38: {  	s10 =	sld [smem:$0x3FBB]  }
0x39: {  	_ = 	snop;
	(pc) =	sbr.ind lr, $3  }
0x3a: {  	_ = 	snop  }
0x3b: {  	_ = 	snop  }
0x3c: {  	p2 =	seq.s32 s10, $0x1;
	s10 =	sld [smem:$0x3FBA]  }
0x3d: {  	_ =	shalt  }
0x3e: {  	_ =	shalt  }
0x3f: {  	_ =	shalt  }
0x40: {  	_ =	shalt  }
0x41: {  	_ =	shalt  }
0x42: {  	_ =	shalt  }
0x43: {  	_ =	shalt  }
0x44: {  	_ =	shalt  }
0x45: {  	_ =	shalt  }
0x46: {  	_ =	shalt  }
0x47: {  	_ =	shalt  }
0x48: {  	_ =	shalt  }
0x49: {  	_ =	shalt  }
0x4a: {  	_ =	shalt  }
0x4b: {  	_ =	shalt  }
0x4c: {  	_ =	shalt  }
0x4d: {  	_ =	shalt  }
0x4e: {  	_ =	shalt  }
0x4f: {  	_ =	shalt  }
0x50: {  	_ =	shalt  }
0x51: {  	_ =	shalt  }
0x52: {  	_ =	shalt  }
0x53: {  	_ =	shalt  }
0x54: {  	_ =	shalt  }
0x55: {  	_ =	shalt  }
0x56: {  	_ =	shalt  }
0x57: {  	_ =	shalt  }
0x58: {  	_ =	shalt  }
0x59: {  	_ =	shalt  }
0x5a: {  	_ =	shalt  }
0x5b: {  	_ =	shalt  }
0x5c: {  	_ =	shalt  }
0x5d: {  	_ =	shalt  }
0x5e: {  	_ =	shalt  }
0x5f: {  	_ =	shalt  }
0x60: {  	_ =	shalt  }
0x61: {  	_ =	shalt  }
0x62: {  	_ =	shalt  }
0x63: {  	_ =	shalt  }
0x64: {  	_ =	shalt  }
0x65: {  	_ =	shalt  }
0x66: {  	_ =	shalt  }
0x67: {  	_ =	shalt  }
0x68: {  	_ =	shalt  }
0x69: {  	_ =	shalt  }
0x6a: {  	_ =	shalt  }
0x6b: {  	_ =	shalt  }
0x6c: {  	_ =	shalt  }
0x6d: {  	_ =	shalt  }
0x6e: {  	_ =	shalt  }
0x6f: {  	_ =	shalt  }
0x70: {  	_ =	shalt  }
0x71: {  	_ =	shalt  }
0x72: {  	_ =	shalt  }
0x73: {  	_ =	shalt  }
0x74: {  	_ =	shalt  }
0x75: {  	_ =	shalt  }
0x76: {  	_ =	shalt  }
0x77: {  	_ =	shalt  }
0x78: {  	_ =	shalt  }
0x79: {  	_ =	shalt  }
0x7a: {  	_ =	shalt  }
0x7b: {  	_ =	shalt  }
0x7c: {  	_ =	shalt  }
0x7d: {  	_ =	shalt  }
0x7e: {  	_ =	shalt  }
0x7f: {  	_ =	shalt  }
0x80: {  	_ =	shalt  }
0x81: {  	_ =	shalt  }
0x82: {  	_ =	shalt  }
0x83: {  	_ =	shalt  }
0x84: {  	_ =	shalt  }
0x85: {  	_ =	shalt  }
0x86: {  	_ =	shalt  }
0x87: {  	_ =	shalt  }
.Lfunc_end0:
.L_simem_size_0:
called_computation.1_lowered:
.L_overlay_start_0:
0x88: {  	s2 =	sld [smem:$0x3FD9]  }
0x89: {  	s3 =	sld [smem:$0x3FFE];
	_ =	sdelay $0x1  }
0x8a: {  	s1 =	srdreg.scid  }
0x8b: {  	s0 =	sand.u32 $0x1, s1  }
0x8c: {  	s17 =	sshll.u32 s0, $0xA;
	s2 =	sadd.s32 s3, s2  }
0x8d: {  	s2 =	sadd.s32 s2, s17  }
0x8e: {  	[smem:$0x3FC6] =	sst s2  }
0x8f: {  	_ = 	snop  }
0x90: {  	s2 =	sld [smem:$0x3FD0];
	(tm) =	ssettm $0x1  }
0x91: {  	s18 =	sld [smem:$0x3FFB];
	_ =	sdelay $0x3  }
0x92: {  	_ =	strace s18  }
0x93: {  	s3 =	sld [smem:$0x3FFC];
	_ =	sdelay $0x3  }
0x94: {  	_ =	strace s3  }
0x95: {  	s3 =	sld [smem:$0x3FFD];
	_ =	sdelay $0x3  }
0x96: {  	_ =	strace s3  }
0x97: {  	_ =	strace $0x8FFFFFFF  }
0x98: {  	s19 =	sld [smem:$0x3FDB];
	_ =	sdelay $0x1  }
0x99: {  	s4 =	simm.s32 $_scs_section_size  }
0x9a: {  	s5 =	simm.s32 $_size__tile_overlayer_lowered;
	s6 =	simm.s32 $_tile_overlayer_lowered  }
0x9b: {  	s22 =	simm.s32 $0x1BFF;
	s21 =	sshll.u32 s6, $0x1;
	s3 =	sadd.s32 s4, s19  }
0x9c: {  	s7 =	simm.s32 $0x0;
	s20 =	sshll.u32 s5, $0x1;
	s5 =	sadd.s32 s21, s3  }
0x9d: {  	[timem:s7], [sflag:s22] =	dma.local [hbm:s5], s20  }
0x9e: {  	_ =	swait.ge [sflag:s22], s20  }
0x9f: {  	s4 =	ssub.s32 $0x0, s20;
	[sflag:s22] =	ssyncset.done $0x0  }
0xa0: {  	[sflag:s22] =	ssyncadd.s32 s4;
	_ =	sdelay $0x1  }
0xa1: {  	s23 =	simm.s32 $0x1B8B  }
0xa2: {  	_ =	swait.ge [sflag:s23], $0x1  }
0xa3: {  	[sflag:s23] =	ssyncset.done $0x0  }
0xa4: {  	s25 =	simm.s32 $0x1B8E;
	s24 =	sld [smem:$0x3FFE];
	[sflag:s23] =	ssyncadd.s32 $0xFFFFFFFF  }
0xa5: {  	s26 =	simm.s32 $execute0_lowered;
	[smem:$0x3FD2] =	sst s25  }
0xa6: {  	s5 =	sshll.u32 s26, $0x1;
	_ =	strace $0x80000046;
	[dreg:$0x1] =	wrdreg $0xFFFFFFFF  }
0xa7: {  	s28 =	simm.s32 $_size_execute0_lowered;
	s3 =	sadd.s32 s3, s5;
	[dreg:$0x0] =	wrdreg $0x0  }
0xa8: {  	s5 =	sshll.u32 s28, $0x1;
	[dreg:$0x2] =	wrdreg s3  }
0xa9: {  	[dreg:$0x3] =	wrdreg s5  }
0xaa: {  	[dreg:$0x4] =	wrdreg $0xC0  }
0xab: {  	_ =	task [dreg:s7], $0x5FFFF  }
0xac: {  	[dreg:$0x1] =	wrdreg $0xFFFFFFFF  }
0xad: {  	[dreg:$0x0] =	wrdreg $0x60  }
0xae: {  	[dreg:$0x2] =	wrdreg s24  }
0xaf: {  	[dreg:$0x3] =	wrdreg s2  }
0xb0: {  	[dreg:$0x4] =	wrdreg $0x9  }
0xb1: {  	_ =	task.clear_ibuf [dreg:s7], $0x5FFFF;
	_ =	strace $0x90000046  }
0xb2: {  	s29 =	simm.s32 $0x9;
	_ =	strace $0x8000004F  }
0xb3: {  	_ =	swait.ge [sflag:s29], $0x1  }
0xb4: {  	[sflag:s29] =	ssyncadd.s32 $0xFFFFFFFF  }
0xb5: {  	_ =	strace $0x9000004F  }
0xb6: {  	_ =	sfence  }
0xb7: {  	s30 =	sld [smem:$0x0];
	_ =	sdelay $0x2  }
0xb8: {  	s31 =	sshll.u32 s1, $0xD;
	s1 =	sshrl.u32 s1, $0x2  }
0xb9: {  	s3 =	sand.u32 $0x4000, s31;
	s1 =	sadd.s32 s1, s30  }
0xba: {  	s0 =	sor.u32 s3, s0;
	s1 =	sshll.u32 s1, $0x11  }
0xbb: {  	s0 =	sor.u32 s1, s0  }
0xbc: {  	s0 =	sadd.s32 $0x8F2B, s0  }
0xbd: {  	[sflag:s0] =	ssyncadd.remote.s32 $0x1  }
0xbe: {  	_ =	sfence.sel $0xFFFF  }
0xbf: {  	[dreg:$0x0] =	wrdreg $0xFFFFFFFF;
	(pc) =	sbr.abs _section_cstart, $3  }
0xc0: {  	[dreg:$0x1] =	wrdreg $0xFFFFFFFF  }
0xc1: {  	_ =	task.clear_ibuf [dreg:s7], $0x2FFFF;
	_ =	strace $0x9FFFFFFF  }
0xc2: {  	(tm) =	ssettm $0x7FFFFFFF  }
0xc3: {  	_ =	shalt  }
tec
execute0_lowered:
.L_overlay_start_1:
0x0: {  	(tag) =	ssettag $0x1  }
0x1: {  	s0 =	rddreg [dreg:$0x0]  }
0x2: {  	s1 =	rddreg [dreg:$0x1]  }
0x3: {  	s23 =	simm.s32 $0x0;
	s24 =	srdreg.scid;
	s4 =	stileid.u32  }
0x4: {  	s31 =	simm.s32 $0x2;
	s11 =	simm.s32 $0x1;
	[dreg:$0x4] =	wrdreg s1  }
0x5: {  	s12 =	simm.s32 $0x80;
	[smem:$0x7FF] =	sst s23;
	s1 =	sand.u32 $0x1, s24  }
0x6: {  	s3 =	sadd.s32 $0x19800, s0;
	s24 =	sadd.s32 $0x800, s0;
	s2 =	sshll.u32 s1, $0x4  }
0x7: {  	_ =	strace $0x80000047;
	s25 =	ssub.s32 $0x2, s1;
	s26 =	sor.u32 s4, s2  }
0x8: {  	[dreg:$0x5] =	wrdreg s24;
	s28 =	sshrl.u32 s25, $0x1;
	p0 =	slt.u32 s26, $0x12  }
0x9: {  	s2 =	sshll.u32 s26, $0x1;
	s5 =	sadd.s32 $0x12, s26;
	s0 =	ssub.s32 s25, s28  }
0xa: {  	s5 =	smov.u32 @p0 s2;
	s31 =	simm.s32 @!p0 $0x1;
	s0 =	smax.u32 s0, $0x1  }
0xb: {  	s29 =	sshll.u32 s5, $0xB;
	s30 =	sadd.s32 $0xFFFFFFF, s31;
	[dreg:$0x7] =	wrdreg s0  }
0xc: {  	s7 =	sshll.u32 s31, $0x4;
	s1 =	sadd.s32 s24, s29;
	[dreg:$0x3] =	wrdreg s30  }
0xd: {  	s9 =	simm.s32 $0x0;
	s6 =	sadd.s32 $0xFFFFFFFF, s7;
	[dreg:$0x6] =	wrdreg s1  }
.LBB2_1:
0xe: {  	_ =	strace $0x80000048  }
0xf: {  	s1 =	simm.s32 $0x0;
	s0 =	rddreg [dreg:$0x6]  }
0x10: {  	[tilespmem:s1], [sflag:$0x2] =	stream.linear.gather [hbm4b:s0+s1], $0x400, $0x200038;
	[tilespmem:$0x10800] =	vst v63  }
0x11: {  	p0 =	por $0x0, $0x0;
	s0 =	simm.s32 $0x1  }
0x12: {  	s0 =	simm.s32 @!p0 $0x0  }
0x13: {  	s17 =	sadd.s32 $0x0, s0  }
0x14: {  	s16 =	simm.s32 $0x1;
	p2 =	sne.s32 s7, $0x1;
	p1 =	seq.s32 s17, s31  }
.Ltmp0:
0x15: {  	s16 =	simm.s32 @p0 $0x0;
	s17 =	simm.s32 @p1 $0x0;
	(pc) =	sbr.rel @!p2 .LBB2_2-.Ltmp0, $4  }
0x16: {  	s14 =	simm.s32 $0x1;
	p6 =	sne.s32 s16, $0x0;
	p5 =	sne.s32 s17, $0x0  }
0x17: {  	p4 =	sgt.s32 s6, $0x0;
	s25 =	simm.s32 $0x0;
	p3 =	por p6, p5  }
0x18: {  	s20 =	sand.u32 $0x1, s1;
	_ =	strace $0x90000048;
	p0 =	por !p4, !p3  }
0x19: {  	s15 =	sadd.s32 s5, s17;
	p6 =	por $0x0, $0x0;
	p1 =	por !p0, !p0  }
0x1a: {  	[dreg:$0x8] =	wrdreg s9;
	s0 =	sshll.u32 @p1 s15, $0xE;
	s1 =	sshll.u32 @p1 s16, $0xA  }
0x1b: {  	s18 =	rddreg [dreg:$0x3];
	s19 =	simm.s32 @p1 $0x0;
	s0 =	sadd.s32 @p1 s1, s0  }
0x1c: {  	s1 =	sand.u32 @p1 $0x1, s11;
	_ =	strace @p1 $0x80000049;
	s0 =	sshrl.u32 @p1 s0, $0x3  }
0x1d: {  	s2 =	sshll.u32 @p1 s1, $0xA;
	s1 =	sor.u32 @p1 $0x2, s1;
	s0 =	sadd.s32 @p1 s24, s0  }
0x1e: {  	[tilespmem:s2], [sflag:s1] =	stream.linear.gather @p1 [hbm4b:s0+s19], $0x400, $0x200038;
	[tilespmem:$0x10800] =	vst v63  }
0x1f: {  	_ =	strace @p1 $0x90000049  }
0x20: {  	s9 =	sor.u32 $0x2, s20;
	_ =	strace $0x8000004A  }
0x21: {  	s21 =	simm.s32 $0x2;
	_ =	swait.ge [sflag:s9], $0x400  }
0x22: {  	p2 =	seq.s32 s6, $0x0;
	p4 =	sne.s32 s7, $0x2;
	[sflag:s9] =	ssyncset.done $0x0  }
0x23: {  	p5 =	por $0x0, $0x0;
	p0 =	por p2, p3;
	[sflag:s9] =	ssyncadd.s32 $0xFFFFFC00  }
0x24: {  	s0 =	sshll.u32 s20, $0xF;
	s1 =	sand.u32 $0x400, s25;
	_ =	strace $0x9000004A  }
0x25: {  	s2 =	simm.s32 $0x1;
	s22 =	sor.u32 $0x800, s0;
	_ =	strace $0x8000004B  }
0x26: {  	[tilespmem:s22], [sflag:$0x1] =	stream.indirect.gather [hbm4b:s3+s12], $0x20, s1, s12, $0x2000b8;
	[tilespmem:$0x10800] =	vst v63  }
0x27: {  	s19 =	simm.s32 $0x0;
	s10 =	sor.u32 $0x1800, s0;
	s13 =	sor.u32 $0x80, s1  }
0x28: {  	[tilespmem:s10], [sflag:$0x1] =	stream.indirect.gather [hbm4b:s3+s12], $0x20, s13, s12, $0x2000b8;
	[tilespmem:$0x10800] =	vst v63  }
0x29: {  	s23 =	sor.u32 $0x2800, s0;
	s24 =	sor.u32 $0x100, s1;
	s25 =	sor.u32 $0x3800, s0  }
0x2a: {  	[tilespmem:s23], [sflag:$0x1] =	stream.indirect.gather [hbm4b:s3+s12], $0x20, s24, s12, $0x2000b8;
	[tilespmem:$0x10800] =	vst v63  }
0x2b: {  	s26 =	sor.u32 $0x180, s1;
	s4 =	sor.u32 $0x4800, s0;
	s8 =	sor.u32 $0x200, s1  }
0x2c: {  	[tilespmem:s25], [sflag:$0x1] =	stream.indirect.gather [hbm4b:s3+s12], $0x20, s26, s12, $0x2000b8;
	[tilespmem:$0x10800] =	vst v63  }
0x2d: {  	s2 =	simm.s32 @!p0 $0x0;
	p0 =	por $0x1, $0x1;
	s9 =	sor.u32 $0x5800, s0  }
0x2e: {  	[tilespmem:s4], [sflag:$0x1] =	stream.indirect.gather [hbm4b:s3+s12], $0x20, s8, s12, $0x2000b8;
	[tilespmem:$0x10800] =	vst v63  }
0x2f: {  	s10 =	sor.u32 $0x6800, s0;
	s13 =	sor.u32 $0x300, s1;
	s23 =	sor.u32 $0x280, s1  }
0x30: {  	[tilespmem:s9], [sflag:$0x1] =	stream.indirect.gather [hbm4b:s3+s12], $0x20, s23, s12, $0x2000b8;
	[tilespmem:$0x10800] =	vst v63  }
0x31: {  	s0 =	sor.u32 $0x7800, s0;
	s24 =	sadd.s32 $0x0, s2;
	s1 =	sor.u32 $0x380, s1  }
0x32: {  	[tilespmem:s10], [sflag:$0x1] =	stream.indirect.gather [hbm4b:s3+s12], $0x20, s13, s12, $0x2000b8;
	[tilespmem:$0x10800] =	vst v63  }
0x33: {  	s28 =	sand.u32 $0x1, s24;
	s25 =	sshll.u32 s24, $0xA;
	s26 =	sshll.u32 s15, $0x4  }
0x34: {  	[tilespmem:s0], [sflag:$0x1] =	stream.indirect.gather [hbm4b:s3+s12], $0x20, s1, s12, $0x2000b8;
	[tilespmem:$0x10800] =	vst v63  }
0x35: {  	s23 =	sadd.s32 $0x0, s5;
	s9 =	smov.u32 s7;
	_ =	swait.ge [sflag:s11], $0x1000  }
0x36: {  	s7 =	smov.u32 s31;
	s0 =	simm.s32 $0x1;
	[sflag:s11] =	ssyncset.done $0x0  }
0x37: {  	s2 =	sshll.u32 s23, $0x4;
	s0 =	simm.s32 @!p0 $0x0;
	[sflag:s11] =	ssyncadd.s32 $0xFFFFF000  }
0x38: {  	s23 =	simm.s32 $0x0;
	s0 =	ssub.s32 $0x0, s0;
	_ =	swait.ge [sflag:s11], $0x1000  }
0x39: {  	s30 =	sadd.s32 $0x0, s2;
	p3 =	seq.s32 s0, $0xFFFFFFFF;
	[sflag:s11] =	ssyncset.done $0x0  }
0x3a: {  	s1 =	simm.s32 $0xFFFFFFFF;
	s0 =	smov.u32 @p3 s18;
	[sflag:s11] =	ssyncadd.s32 $0xFFFFF000  }
0x3b: {  	s1 =	simm.s32 @p0 $0xF;
	s0 =	sadd.s32 s5, s0;
	_ =	swait.ge [sflag:s11], $0x1000  }
0x3c: {  	p0 =	sgt.s32 s6, $0x1;
	s0 =	sshll.u32 s0, $0x4;
	[sflag:s11] =	ssyncset.done $0x0  }
0x3d: {  	s18 =	sadd.s32 $0x1, s16;
	s0 =	sadd.s32 s1, s0;
	[sflag:s11] =	ssyncadd.s32 $0xFFFFF000  }
0x3e: {  	s1 =	simm.s32 $0x1;
	p6 =	sne.s32 s30, s0;
	_ =	swait.ge [sflag:s11], $0x1000  }
0x3f: {  	s0 =	simm.s32 $0x1;
	p3 =	por !p5, !p6;
	[sflag:s11] =	ssyncset.done $0x0  }
0x40: {  	s0 =	simm.s32 @!p1 $0x0;
	p1 =	seq.s32 s18, $0x10;
	[sflag:s11] =	ssyncadd.s32 $0xFFFFF000  }
0x41: {  	s1 =	simm.s32 @!p1 $0x0;
	s18 =	simm.s32 @p1 $0x0;
	_ =	swait.ge [sflag:s11], $0x1000  }
0x42: {  	s29 =	sadd.s32 s1, s17;
	s1 =	sadd.s32 s16, s26;
	[sflag:s11] =	ssyncset.done $0x0  }
0x43: {  	p6 =	sne.s32 s16, s18;
	p1 =	seq.s32 s29, s31;
	[sflag:s11] =	ssyncadd.s32 $0xFFFFF000  }
.Ltmp1:
0x44: {  	s29 =	simm.s32 @p1 $0x0;
	_ =	swait.ge [sflag:s11], $0x1000;
	(pc) =	sbr.rel @!p4 .LBB2_4-.Ltmp1, $4  }
0x45: {  	s26 =	simm.s32 $0x1;
	p1 =	sne.s32 s17, s29;
	[sflag:s11] =	ssyncset.done $0x0  }
0x46: {  	p5 =	sne.s32 s30, s1;
	p6 =	por p6, p1;
	[sflag:s11] =	ssyncadd.s32 $0xFFFFF000  }
0x47: {  	s31 =	smov.u32 s18;
	p0 =	por !p0, !p6;
	_ =	swait.ge [sflag:s11], $0x1000  }
0x48: {  	s15 =	sadd.s32 s5, s29;
	p1 =	por !p0, !p0;
	[sflag:s11] =	ssyncset.done $0x0  }
.LBB2_5:
0x49: {  	s1 =	sshll.u32 @p1 s15, $0xE  }
0x4a: {  	s8 =	sshll.u32 @p1 s18, $0xA;
	[sflag:s11] =	ssyncadd.s32 $0xFFFFF000;
	s2 =	smov.u32 s21  }
0x4b: {  	p5 =	por p2, p5;
	p2 =	seq.s32 s6, s14;
	s26 =	sadd.s32 s0, s26  }
0x4c: {  	p0 =	sne.s32 s14, $0x0;
	s14 =	sadd.s32 $0xFFFFFFFF, s16;
	s1 =	sadd.s32 @p1 s8, s1  }
0x4d: {  	_ =	swait.ge [sflag:s11], $0x1000;
	s8 =	sshll.u32 @p5 s30, $0xC;
	s30 =	simm.s32 $0x1  }
0x4e: {  	p6 =	por p2, p6;
	s20 =	sor.u32 @p5 $0x4, s20;
	s10 =	simm.s32 @p5 $0x0  }
0x4f: {  	s13 =	sand.u32 @p1 $0x1, s26;
	s1 =	sshrl.u32 @p1 s1, $0x3;
	[sflag:s11] =	ssyncset.done $0x0  }
0x50: {  	s4 =	rddreg [dreg:$0x5];
	s8 =	sand.u32 @p5 $0x1FFFF000, s8;
	[sflag:s11] =	ssyncadd.s32 $0xFFFFF000  }
0x51: {  	s30 =	simm.s32 @!p5 $0x0;
	s1 =	sadd.s32 @p1 s4, s1;
	_ =	strace $0x9000004B  }
0x52: {  	s23 =	sadd.s32 s30, s23;
	s30 =	simm.s32 $0x1;
	_ =	strace @p5 $0x8000004C  }
0x53: {  	s30 =	simm.s32 @!p6 $0x0;
	p6 =	por !p3, !p3;
	s0 =	rddreg [dreg:$0x4]  }
0x54: {  	s24 =	sadd.s32 s30, s24;
	s0 =	sadd.s32 @p5 s0, s8;
	s8 =	sor.u32 @p1 $0x2, s13  }
0x55: {  	[hbm4b:s0+s10] =	stream.linear.scatter @p5 [tilespmem:s22], [sflag:s20], $0x8000, $0x200038;
	[tilespmem:$0x10800] =	vst v63  }
0x56: {  	s0 =	sshll.u32 @p1 s13, $0xA;
	s10 =	sand.u32 @p6 $0x1, s19;
	_ =	strace @p5 $0x9000004C  }
0x57: {  	s20 =	simm.s32 $0x1;
	s10 =	sor.u32 @p6 $0x4, s10;
	_ =	strace @p6 $0x8000004D  }
0x58: {  	s20 =	simm.s32 @!p6 $0x0;
	p5 =	seq.s32 s16, $0x0;
	_ =	swait.ge @p6 [sflag:s10], $0x8000  }
0x59: {  	s19 =	sadd.s32 s20, s19;
	s20 =	simm.s32 $0x1;
	[sflag:s10] =	ssyncset.done @p6 $0x0  }
0x5a: {  	s22 =	sadd.s32 s5, s17;
	s20 =	simm.s32 @!p5 $0x0;
	[sflag:s10] =	ssyncadd.s32 @p6 $0xFFFF8000  }
0x5b: {  	s17 =	ssub.s32 s17, s20;
	s10 =	sshll.u32 s22, $0x4;
	_ =	strace @p6 $0x9000004D  }
0x5c: {  	s22 =	simm.s32 @p1 $0x0;
	s20 =	rddreg [dreg:$0x3];
	_ =	strace @p1 $0x80000049  }
0x5d: {  	[tilespmem:s0], [sflag:s8] =	stream.linear.gather @p1 [hbm4b:s1+s22], $0x400, $0x200038;
	[tilespmem:$0x10800] =	vst v63  }
0x5e: {  	s4 =	sshll.u32 s24, $0xA;
	s13 =	sand.u32 $0x1, s24;
	_ =	strace @p1 $0x90000049  }
0x5f: {  	s14 =	simm.s32 @p5 $0xF;
	s22 =	sor.u32 $0x2, s28;
	_ =	strace $0x8000004A  }
0x60: {  	p6 =	seq.s32 s17, $0xFFFFFFFF;
	s30 =	sadd.s32 s16, s10;
	_ =	swait.ge [sflag:s22], $0x400  }
0x61: {  	s17 =	smov.u32 @p6 s20;
	s20 =	sand.u32 $0x1, s23;
	[sflag:s22] =	ssyncset.done $0x0  }
0x62: {  	s0 =	sand.u32 $0x400, s25;
	s25 =	smov.u32 s4;
	[sflag:s22] =	ssyncadd.s32 $0xFFFFFC00  }
0x63: {  	s10 =	sadd.s32 s5, s17;
	s8 =	sshll.u32 s20, $0xF;
	_ =	strace $0x9000004A  }
0x64: {  	s17 =	sor.u32 $0x80, s0;
	s22 =	sor.u32 $0x800, s8;
	_ =	strace $0x8000004B  }
0x65: {  	[tilespmem:s22], [sflag:$0x1] =	stream.indirect.gather [hbm4b:s3+s12], $0x20, s0, s12, $0x2000b8;
	[tilespmem:$0x10800] =	vst v63  }
0x66: {  	s4 =	sor.u32 $0x100, s0;
	s1 =	sshll.u32 s10, $0x4;
	s16 =	sor.u32 $0x1800, s8  }
0x67: {  	[tilespmem:s16], [sflag:$0x1] =	stream.indirect.gather [hbm4b:s3+s12], $0x20, s17, s12, $0x2000b8;
	[tilespmem:$0x10800] =	vst v63  }
0x68: {  	s1 =	sadd.s32 s14, s1;
	s14 =	smov.u32 s2;
	s2 =	sor.u32 $0x2800, s8  }
0x69: {  	[tilespmem:s2], [sflag:$0x1] =	stream.indirect.gather [hbm4b:s3+s12], $0x20, s4, s12, $0x2000b8;
	[tilespmem:$0x10800] =	vst v63  }
0x6a: {  	s28 =	smov.u32 s13;
	s13 =	sor.u32 $0x180, s0;
	s10 =	sor.u32 $0x3800, s8  }
0x6b: {  	[tilespmem:s10], [sflag:$0x1] =	stream.indirect.gather [hbm4b:s3+s12], $0x20, s13, s12, $0x2000b8;
	[tilespmem:$0x10800] =	vst v63  }
0x6c: {  	s2 =	sor.u32 $0x4800, s8;
	s4 =	sor.u32 $0x200, s0  }
0x6d: {  	[tilespmem:s2], [sflag:$0x1] =	stream.indirect.gather [hbm4b:s3+s12], $0x20, s4, s12, $0x2000b8;
	[tilespmem:$0x10800] =	vst v63  }
0x6e: {  	s10 =	sor.u32 $0x5800, s8;
	s13 =	sor.u32 $0x280, s0  }
0x6f: {  	[tilespmem:s10], [sflag:$0x1] =	stream.indirect.gather [hbm4b:s3+s12], $0x20, s13, s12, $0x2000b8;
	[tilespmem:$0x10800] =	vst v63  }
0x70: {  	s4 =	sor.u32 $0x6800, s8;
	s10 =	sor.u32 $0x300, s0  }
0x71: {  	[tilespmem:s4], [sflag:$0x1] =	stream.indirect.gather [hbm4b:s3+s12], $0x20, s10, s12, $0x2000b8;
	[tilespmem:$0x10800] =	vst v63  }
0x72: {  	s13 =	sor.u32 $0x7800, s8;
	s0 =	sor.u32 $0x380, s0  }
0x73: {  	[tilespmem:s13], [sflag:$0x1] =	stream.indirect.gather [hbm4b:s3+s12], $0x20, s0, s12, $0x2000b8;
	[tilespmem:$0x10800] =	vst v63  }
0x74: {  	_ =	swait.ge [sflag:s11], $0x1000  }
0x75: {  	[sflag:s11] =	ssyncset.done $0x0  }
0x76: {  	[sflag:s11] =	ssyncadd.s32 $0xFFFFF000  }
0x77: {  	_ =	swait.ge [sflag:s11], $0x1000  }
0x78: {  	[sflag:s11] =	ssyncset.done $0x0  }
0x79: {  	[sflag:s11] =	ssyncadd.s32 $0xFFFFF000  }
0x7a: {  	s21 =	sadd.s32 $0x1, s21;
	s15 =	sshll.u32 s15, $0x4;
	_ =	swait.ge [sflag:s11], $0x1000  }
0x7b: {  	p4 =	sne.s32 s9, s21;
	p6 =	sne.s32 s30, s1;
	[sflag:s11] =	ssyncset.done $0x0  }
0x7c: {  	s1 =	simm.s32 $0x1;
	p3 =	por !p0, !p6;
	[sflag:s11] =	ssyncadd.s32 $0xFFFFF000  }
0x7d: {  	s16 =	smov.u32 s31;
	s31 =	sadd.s32 $0x1, s31;
	_ =	swait.ge [sflag:s11], $0x1000  }
0x7e: {  	s17 =	smov.u32 s29;
	p5 =	seq.s32 s31, $0x10;
	[sflag:s11] =	ssyncset.done $0x0  }
0x7f: {  	s31 =	simm.s32 @p5 $0x0;
	s1 =	simm.s32 @!p5 $0x0;
	[sflag:s11] =	ssyncadd.s32 $0xFFFFF000  }
0x80: {  	s29 =	sadd.s32 s1, s29;
	s1 =	sadd.s32 s18, s15;
	_ =	swait.ge [sflag:s11], $0x1000  }
0x81: {  	p0 =	sne.s32 s16, s31;
	p5 =	seq.s32 s29, s7;
	[sflag:s11] =	ssyncset.done $0x0  }
0x82: {  	s18 =	smov.u32 s31;
	s29 =	simm.s32 @p5 $0x0;
	[sflag:s11] =	ssyncadd.s32 $0xFFFFF000  }
.Ltmp2:
0x83: {  	p6 =	sne.s32 s17, s29;
	_ =	swait.ge [sflag:s11], $0x1000;
	(pc) =	sbr.rel @p4 .LBB2_5-.Ltmp2, $4  }
0x84: {  	p6 =	por p0, p6;
	s0 =	simm.s32 $0x1;
	[sflag:s11] =	ssyncset.done $0x0  }
0x85: {  	s0 =	simm.s32 @!p1 $0x0;
	p1 =	slt.s32 s14, s6;
	[sflag:s11] =	ssyncadd.s32 $0xFFFFF000  }
0x86: {  	p5 =	sne.s32 s30, s1;
	p0 =	por !p1, !p6;
	_ =	swait.ge [sflag:s11], $0x1000  }
0x87: {  	s15 =	sadd.s32 s5, s29;
	p1 =	por !p0, !p0;
	[sflag:s11] =	ssyncset.done $0x0  }
0x88: {  	s1 =	smov.u32 s20  }
0x89: {  	s20 =	smov.u32 s28;
	s24 =	rddreg [dreg:$0x5];
	s31 =	smov.u32 s7  }
0x8a: {  	s7 =	smov.u32 s9;
	s9 =	rddreg [dreg:$0x8];
	p6 =	por $0x1, $0x1  }
.LBB2_7:
0x8b: {  	[sflag:s11] =	ssyncadd.s32 @p6 $0xFFFFF000  }
0x8c: {  	_ =	swait.ge @p6 [sflag:s11], $0x1000  }
0x8d: {  	[sflag:s11] =	ssyncset.done @p6 $0x0  }
0x8e: {  	p0 =	por @p6 p2, p5;
	[sflag:s11] =	ssyncadd.s32 @p6 $0xFFFFF000  }
0x8f: {  	s0 =	sadd.s32 @p6 s0, s26;
	p4 =	por !p0, !p6;
	_ =	strace @p6 $0x9000004B  }
0x90: {  	p0 =	por @p6 !p3, !p3;
	s4 =	sshll.u32 @!p4 s30, $0xC;
	_ =	strace @!p4 $0x8000004C  }
0x91: {  	s1 =	sor.u32 @!p4 $0x4, s1;
	s4 =	sand.u32 @!p4 $0x1FFFF000, s4;
	s2 =	rddreg [dreg:$0x4]  }
0x92: {  	s8 =	simm.s32 @!p4 $0x0;
	p2 =	por !p0, !p6;
	s2 =	sadd.s32 @!p4 s2, s4  }
0x93: {  	[hbm4b:s2+s8] =	stream.linear.scatter @!p4 [tilespmem:s22], [sflag:s1], $0x8000, $0x200038;
	[tilespmem:$0x10800] =	vst v63  }
0x94: {  	s4 =	sshll.u32 @p1 s18, $0xA;
	s1 =	sand.u32 @!p2 $0x1, s19;
	_ =	strace @!p4 $0x9000004C  }
0x95: {  	s2 =	sshll.u32 @p1 s15, $0xE;
	s1 =	sor.u32 @!p2 $0x4, s1;
	_ =	strace @!p2 $0x8000004D  }
0x96: {  	s8 =	simm.s32 $0x1;
	s2 =	sadd.s32 @p1 s4, s2;
	_ =	swait.ge @!p2 [sflag:s1], $0x8000  }
0x97: {  	s8 =	smov.u32 @p6 s0;
	s4 =	simm.s32 @p1 $0x0;
	[sflag:s1] =	ssyncset.done @!p2 $0x0  }
0x98: {  	s0 =	sshrl.u32 @p1 s2, $0x3;
	[sflag:s1] =	ssyncadd.s32 @!p2 $0xFFFF8000;
	s1 =	sand.u32 @p1 $0x1, s8  }
0x99: {  	s0 =	sadd.s32 @p1 s24, s0;
	_ =	strace @!p2 $0x9000004D;
	s2 =	sshll.u32 @p1 s1, $0xA  }
0x9a: {  	s1 =	sor.u32 @p1 $0x2, s1;
	s21 =	rddreg [dreg:$0x3];
	_ =	strace @p1 $0x80000049  }
0x9b: {  	[tilespmem:s2], [sflag:s1] =	stream.linear.gather @p1 [hbm4b:s0+s4], $0x400, $0x200038;
	[tilespmem:$0x10800] =	vst v63  }
0x9c: {  	s0 =	simm.s32 $0x1;
	_ =	strace @p1 $0x90000049  }
0x9d: {  	s22 =	sor.u32 $0x2, s20;
	s0 =	simm.s32 @p4 $0x0;
	_ =	strace $0x8000004A  }
0x9e: {  	s2 =	simm.s32 $0x0;
	s0 =	sadd.s32 @p6 s0, s23;
	_ =	swait.ge [sflag:s22], $0x400  }
0x9f: {  	s2 =	smov.u32 @p6 s0;
	[sflag:s22] =	ssyncset.done $0x0  }
0xa0: {  	s0 =	sand.u32 $0x1, s2;
	[sflag:s22] =	ssyncadd.s32 $0xFFFFFC00  }
0xa1: {  	s1 =	sshll.u32 s0, $0xF;
	_ =	strace $0x9000004A  }
0xa2: {  	s4 =	sand.u32 $0x400, s25;
	s2 =	sor.u32 $0x800, s1;
	_ =	strace $0x8000004B  }
0xa3: {  	[tilespmem:s2], [sflag:$0x1] =	stream.indirect.gather [hbm4b:s3+s12], $0x20, s4, s12, $0x2000b8;
	[tilespmem:$0x10800] =	vst v63  }
0xa4: {  	s10 =	sor.u32 $0x80, s4;
	s25 =	sor.u32 $0x1800, s1  }
0xa5: {  	[tilespmem:s25], [sflag:$0x1] =	stream.indirect.gather [hbm4b:s3+s12], $0x20, s10, s12, $0x2000b8;
	[tilespmem:$0x10800] =	vst v63  }
0xa6: {  	s28 =	sor.u32 $0x100, s4;
	s26 =	sor.u32 $0x2800, s1  }
0xa7: {  	[tilespmem:s26], [sflag:$0x1] =	stream.indirect.gather [hbm4b:s3+s12], $0x20, s28, s12, $0x2000b8;
	[tilespmem:$0x10800] =	vst v63  }
0xa8: {  	s30 =	sor.u32 $0x180, s4;
	s29 =	sor.u32 $0x3800, s1  }
0xa9: {  	[tilespmem:s29], [sflag:$0x1] =	stream.indirect.gather [hbm4b:s3+s12], $0x20, s30, s12, $0x2000b8;
	[tilespmem:$0x10800] =	vst v63  }
0xaa: {  	s20 =	sor.u32 $0x200, s4;
	s13 =	sor.u32 $0x4800, s1  }
0xab: {  	[tilespmem:s13], [sflag:$0x1] =	stream.indirect.gather [hbm4b:s3+s12], $0x20, s20, s12, $0x2000b8;
	[tilespmem:$0x10800] =	vst v63  }
0xac: {  	s23 =	sor.u32 $0x280, s4;
	s22 =	sor.u32 $0x5800, s1  }
0xad: {  	[tilespmem:s22], [sflag:$0x1] =	stream.indirect.gather [hbm4b:s3+s12], $0x20, s23, s12, $0x2000b8;
	[tilespmem:$0x10800] =	vst v63  }
0xae: {  	s25 =	sor.u32 $0x6800, s1;
	s26 =	sor.u32 $0x300, s4  }
0xaf: {  	[tilespmem:s25], [sflag:$0x1] =	stream.indirect.gather [hbm4b:s3+s12], $0x20, s26, s12, $0x2000b8;
	[tilespmem:$0x10800] =	vst v63  }
0xb0: {  	s1 =	sor.u32 $0x7800, s1;
	s4 =	sor.u32 $0x380, s4  }
0xb1: {  	[tilespmem:s1], [sflag:$0x1] =	stream.indirect.gather [hbm4b:s3+s12], $0x20, s4, s12, $0x2000b8;
	[tilespmem:$0x10800] =	vst v63  }
0xb2: {  	_ =	swait.ge [sflag:s11], $0x1000  }
0xb3: {  	[sflag:s11] =	ssyncset.done $0x0  }
0xb4: {  	[sflag:s11] =	ssyncadd.s32 $0xFFFFF000  }
0xb5: {  	_ =	swait.ge [sflag:s11], $0x1000  }
0xb6: {  	[sflag:s11] =	ssyncset.done $0x0  }
0xb7: {  	[sflag:s11] =	ssyncadd.s32 $0xFFFFF000  }
0xb8: {  	_ =	swait.ge [sflag:s11], $0x1000  }
0xb9: {  	[sflag:s11] =	ssyncset.done $0x0  }
0xba: {  	[sflag:s11] =	ssyncadd.s32 $0xFFFFF000  }
0xbb: {  	_ =	swait.ge [sflag:s11], $0x1000  }
0xbc: {  	[sflag:s11] =	ssyncset.done $0x0  }
0xbd: {  	[sflag:s11] =	ssyncadd.s32 $0xFFFFF000  }
0xbe: {  	p5 =	seq.s32 s6, s14;
	s28 =	sadd.s32 s5, s17;
	_ =	swait.ge [sflag:s11], $0x1000  }
0xbf: {  	s8 =	simm.s32 $0x1;
	s10 =	sshll.u32 s28, $0x4;
	[sflag:s11] =	ssyncset.done $0x0  }
0xc0: {  	p4 =	sne.s32 s14, $0x0;
	s10 =	sadd.s32 s16, s10;
	[sflag:s11] =	ssyncadd.s32 $0xFFFFF000  }
0xc1: {  	s13 =	sshll.u32 s15, $0x4;
	s1 =	simm.s32 $0x1;
	_ =	swait.ge [sflag:s11], $0x1000  }
0xc2: {  	s1 =	simm.s32 @p2 $0x0;
	p2 =	seq.s32 s16, $0x0;
	[sflag:s11] =	ssyncset.done $0x0  }
0xc3: {  	s13 =	sadd.s32 s18, s13;
	s8 =	simm.s32 @!p2 $0x0;
	[sflag:s11] =	ssyncadd.s32 $0xFFFFF000  }
0xc4: {  	p3 =	sne.s32 s10, s13;
	s8 =	ssub.s32 s17, s8;
	_ =	swait.ge [sflag:s11], $0x1000  }
0xc5: {  	p1 =	por p5, p3;
	p0 =	seq.s32 s8, $0xFFFFFFFF;
	[sflag:s11] =	ssyncset.done $0x0  }
0xc6: {  	s0 =	sor.u32 @p1 $0x4, s0;
	s8 =	smov.u32 @p0 s21;
	[sflag:s11] =	ssyncadd.s32 $0xFFFFF000  }
0xc7: {  	s4 =	sadd.s32 $0xFFFFFFFF, s16;
	s8 =	sadd.s32 s5, s8;
	_ =	swait.ge [sflag:s11], $0x1000  }
0xc8: {  	s4 =	simm.s32 @p2 $0xF;
	s8 =	sshll.u32 s8, $0x4;
	[sflag:s11] =	ssyncset.done $0x0  }
0xc9: {  	s1 =	sadd.s32 @p6 s1, s19;
	s4 =	sadd.s32 s4, s8;
	[sflag:s11] =	ssyncadd.s32 $0xFFFFF000  }
0xca: {  	s8 =	simm.s32 $0x0;
	p5 =	sne.s32 s10, s4;
	_ =	strace $0x9000004B  }
0xcb: {  	s10 =	sshll.u32 @p1 s10, $0xC;
	s8 =	smov.u32 @p6 s1;
	_ =	strace @p1 $0x8000004C  }
0xcc: {  	p0 =	por !p4, !p5;
	s1 =	sand.u32 @p1 $0x1FFFF000, s10;
	s4 =	rddreg [dreg:$0x4]  }
0xcd: {  	s10 =	simm.s32 @p1 $0x0;
	p0 =	por !p0, !p0;
	s1 =	sadd.s32 @p1 s4, s1  }
0xce: {  	[hbm4b:s1+s10] =	stream.linear.scatter @p1 [tilespmem:s2], [sflag:s0], $0x8000, $0x200038;
	[tilespmem:$0x10800] =	vst v63  }
0xcf: {  	s0 =	sand.u32 @p0 $0x1, s8;
	_ =	strace @p1 $0x9000004C  }
0xd0: {  	s0 =	sor.u32 @p0 $0x4, s0;
	_ =	strace @p0 $0x8000004D  }
0xd1: {  	s1 =	simm.s32 $0x1;
	_ =	swait.ge @p0 [sflag:s0], $0x8000  }
0xd2: {  	s1 =	simm.s32 @!p0 $0x0;
	[sflag:s0] =	ssyncset.done @p0 $0x0  }
0xd3: {  	s1 =	sadd.s32 s1, s8;
	[sflag:s0] =	ssyncadd.s32 @p0 $0xFFFF8000  }
0xd4: {  	s29 =	sand.u32 $0x1, s1;
	_ =	strace @p0 $0x9000004D  }
0xd5: {  	s0 =	sor.u32 $0x4, s29;
	_ =	strace $0x8000004E  }
0xd6: {  	_ =	swait.ge [sflag:s0], $0x8000  }
0xd7: {  	s9 =	sadd.s32 $0x1, s9;
	s30 =	rddreg [dreg:$0x7]  }
0xd8: {  	p0 =	sne.s32 s9, s30  }
.Ltmp3:
0xd9: {  	_ = 	snop;
	(pc) =	sbr.rel @p0 .LBB2_1-.Ltmp3, $4  }
.Ltmp4:
0xda: {  	_ = 	snop;
	(pc) =	sbr.rel @!p0 .LBB2_8-.Ltmp4, $4  }
0xdb: {  	[sflag:s0] =	ssyncset.done $0x0  }
0xdc: {  	[sflag:s0] =	ssyncadd.s32 $0xFFFF8000  }
0xdd: {  	_ =	strace $0x9000004E  }
0xde: {  	_ = 	snop  }
.LBB2_2:
.Ltmp5:
0xdf: {  	(pc) =	sbr.rel .LBB2_7-.Ltmp5, $4  }
0xe0: {  	_ = 	snop  }
0xe1: {  	s18 =	smov.u32 s16  }
0xe2: {  	s14 =	simm.s32 $0x0;
	s26 =	simm.s32 $0x1;
	s23 =	simm.s32 $0x0  }
0xe3: {  	s19 =	simm.s32 $0x0;
	s16 =	simm.s32 $0x0;
	s17 =	simm.s32 $0x0  }
.LBB2_4:
.Ltmp6:
0xe4: {  	(pc) =	sbr.rel .LBB2_7-.Ltmp6, $4  }
0xe5: {  	s1 =	smov.u32 s20  }
0xe6: {  	s26 =	simm.s32 $0x1;
	s23 =	simm.s32 $0x0;
	s19 =	simm.s32 $0x0  }
0xe7: {  	s20 =	smov.u32 s28;
	s24 =	rddreg [dreg:$0x5];
	s31 =	smov.u32 s7  }
0xe8: {  	s7 =	smov.u32 s9;
	s9 =	rddreg [dreg:$0x8];
	p6 =	por $0x1, $0x1  }
.LBB2_8:
0xe9: {  	_ =	sfence.sel $0x180000  }
0xea: {  	[bflag:$0x0] =	sbarrier.arrive $0xFFFF  }
0xeb: {  	_ =	strace $0x90000047  }
0xec: {  	s0 =	stileid.u32;
	[bflag:$0x2] =	sbarrier.arrive $0xFFFF  }
0xed: {  	p0 =	sne.s32 s0, $0x0;
	s0 =	rddreg [dreg:$0x2]  }
0xee: {  	s0 =	sadd.s32 @!p0 $0x100000, s0  }
0xef: {  	[sflag:s0] =	ssyncadd.tile.s32 @!p0 $0x1;
	_ =	shalt  }
.Lfunc_end2:
_tile_overlayer_lowered:
.L_overlay_start_2:
0xf0: {  	(tag) =	ssettag $0x2  }
0xf1: {  	s0 =	rddreg [dreg:$0x0];
	s2 =	stileid.u32  }
0xf2: {  	s1 =	rddreg [dreg:$0x1];
	p0 =	sne.s32 s2, $0x0  }
0xf3: {  	s3 =	rddreg [dreg:$0x2];
	[bflag:$0x3] =	sbarrier.arrive $0xFFFF;
	s2 =	simm.s32 @!p0 $0x1C02  }
0xf4: {  	[timem:s3], [sflag:s2] =	dma.local @!p0 [hbm:s0], s1  }
0xf5: {  	s0 =	simm.s32 @!p0 $0x2  }
0xf6: {  	_ =	swait.ge @!p0 [sflag:s0], s1  }
0xf7: {  	s1 =	ssub.s32 @!p0 $0x0, s1;
	[sflag:s0] =	ssyncset.done @!p0 $0x0  }
0xf8: {  	[sflag:s0] =	ssyncadd.s32 @!p0 s1  }
0xf9: {  	[bflag:$0x3] =	sbarrier.arrive $0xFFFF  }
0xfa: {  	_ =	shalt  }

// kernel: sparse-core-data-format-call.cloned.1.call-start
scs
called_computation_lowered:
.L_overlay_start_0:
0x0: {  	s2 =	sld [smem:$0x3FD9]  }
0x1: {  	s3 =	sld [smem:$0x3FFE];
	_ =	sdelay $0x1  }
0x2: {  	s1 =	srdreg.scid  }
0x3: {  	s0 =	sand.u32 $0x1, s1  }
0x4: {  	s18 =	sshll.u32 s0, $0xA;
	s2 =	sadd.s32 s3, s2  }
0x5: {  	s2 =	sadd.s32 s2, s18  }
0x6: {  	[smem:$0x3FC6] =	sst s2  }
0x7: {  	_ = 	snop  }
0x8: {  	s2 =	sld [smem:$0x3FD0];
	(tm) =	ssettm $0x1  }
0x9: {  	s19 =	sld [smem:$0x3FFB];
	_ =	sdelay $0x3  }
0xa: {  	_ =	strace s19  }
0xb: {  	s3 =	sld [smem:$0x3FFC];
	_ =	sdelay $0x3  }
0xc: {  	_ =	strace s3  }
0xd: {  	s3 =	sld [smem:$0x3FFD];
	_ =	sdelay $0x3  }
0xe: {  	_ =	strace s3  }
0xf: {  	_ =	strace $0x8FFFFFFF  }
0x10: {  	s20 =	sld [smem:$0x3FDB];
	_ =	sdelay $0x1  }
0x11: {  	s4 =	simm.s32 $_scs_section_size  }
0x12: {  	s5 =	simm.s32 $_size__tile_overlayer_lowered;
	s6 =	simm.s32 $_tile_overlayer_lowered  }
0x13: {  	s23 =	simm.s32 $0x1BFF;
	s22 =	sshll.u32 s6, $0x1;
	s3 =	sadd.s32 s4, s20  }
0x14: {  	s7 =	simm.s32 $0x0;
	s21 =	sshll.u32 s5, $0x1;
	s5 =	sadd.s32 s22, s3  }
0x15: {  	[timem:s7], [sflag:s23] =	dma.local [hbm:s5], s21  }
0x16: {  	_ =	swait.ge [sflag:s23], s21  }
0x17: {  	s4 =	ssub.s32 $0x0, s21;
	[sflag:s23] =	ssyncset.done $0x0  }
0x18: {  	[sflag:s23] =	ssyncadd.s32 s4;
	_ =	sdelay $0x1  }
0x19: {  	s24 =	simm.s32 $0x1B8B  }
0x1a: {  	_ =	swait.ge [sflag:s24], $0x1  }
0x1b: {  	[sflag:s24] =	ssyncset.done $0x0  }
0x1c: {  	s26 =	simm.s32 $0x1B8E;
	s25 =	sld [smem:$0x3FFE];
	[sflag:s24] =	ssyncadd.s32 $0xFFFFFFFF  }
0x1d: {  	s27 =	simm.s32 $execute0_lowered;
	[smem:$0x3FD2] =	sst s26  }
0x1e: {  	s5 =	sshll.u32 s27, $0x1;
	_ =	strace $0x80000050;
	[dreg:$0x1] =	wrdreg $0xFFFFFFFF  }
0x1f: {  	s28 =	simm.s32 $_size_execute0_lowered;
	s3 =	sadd.s32 s3, s5;
	[dreg:$0x0] =	wrdreg $0x0  }
0x20: {  	s5 =	sshll.u32 s28, $0x1;
	[dreg:$0x2] =	wrdreg s3  }
0x21: {  	[dreg:$0x3] =	wrdreg s5  }
0x22: {  	[dreg:$0x4] =	wrdreg $0xC0  }
0x23: {  	_ =	task [dreg:s7], $0x5FFFF  }
0x24: {  	[dreg:$0x1] =	wrdreg $0xFFFFFFFF  }
0x25: {  	[dreg:$0x0] =	wrdreg $0x60  }
0x26: {  	[dreg:$0x2] =	wrdreg s25  }
0x27: {  	[dreg:$0x3] =	wrdreg s2  }
0x28: {  	[dreg:$0x4] =	wrdreg $0x9  }
0x29: {  	_ =	task.clear_ibuf [dreg:s7], $0x5FFFF;
	_ =	strace $0x90000050  }
0x2a: {  	s29 =	simm.s32 $0x9;
	_ =	strace $0x80000052  }
0x2b: {  	_ =	swait.ge [sflag:s29], $0x1  }
0x2c: {  	[sflag:s29] =	ssyncadd.s32 $0xFFFFFFFF  }
0x2d: {  	_ =	strace $0x90000052  }
0x2e: {  	_ =	sfence  }
0x2f: {  	s30 =	sld [smem:$0x0];
	_ =	sdelay $0x2  }
0x30: {  	s31 =	sshll.u32 s1, $0xD;
	s1 =	sshrl.u32 s1, $0x2  }
0x31: {  	s3 =	sand.u32 $0x4000, s31;
	s1 =	sadd.s32 s1, s30  }
0x32: {  	s0 =	sor.u32 s3, s0;
	s1 =	sshll.u32 s1, $0x11  }
0x33: {  	s0 =	sor.u32 s1, s0  }
0x34: {  	s0 =	sadd.s32 $0x8F2B, s0  }
0x35: {  	[sflag:s0] =	ssyncadd.remote.s32 $0x1  }
0x36: {  	_ =	sfence.sel $0xFFFF  }
0x37: {  	[dreg:$0x0] =	wrdreg $0xFFFFFFFF;
	(pc) =	sbr.abs _section_cstart, $3  }
0x38: {  	[dreg:$0x1] =	wrdreg $0xFFFFFFFF  }
0x39: {  	_ =	task.clear_ibuf [dreg:s7], $0x2FFFF;
	_ =	strace $0x9FFFFFFF  }
0x3a: {  	(tm) =	ssettm $0x7FFFFFFF  }
0x3b: {  	_ =	shalt  }
tec
execute0_lowered:
.L_overlay_start_1:
0x0: {  	(tag) =	ssettag $0x1  }
0x1: {  	s0 =	srdreg.scid  }
0x2: {  	s1 =	sshll.u32 s0, $0x4  }
0x3: {  	s0 =	stileid.u32;
	s1 =	sand.u32 $0x10, s1  }
0x4: {  	s7 =	rddreg [dreg:$0x0];
	s1 =	sor.u32 s0, s1  }
0x5: {  	s4 =	simm.s32 $0x1;
	s8 =	simm.s32 $0x2;
	s2 =	sshll.u32 s1, $0x7  }
0x6: {  	s13 =	simm.s32 $0x0;
	s9 =	simm.s32 $0x20000;
	s1 =	ssub.s32 $0x4000, s2  }
0x7: {  	s14 =	simm.s32 $0x0;
	s11 =	simm.s32 $0x0;
	s3 =	sand.u32 $0xF80, s1  }
0x8: {  	s12 =	simm.s32 $0x0;
	s5 =	sshrl.u32 s1, $0xC;
	p0 =	sne.s32 s3, $0x0  }
.Ltmp0:
0x9: {  	s1 =	rddreg [dreg:$0x2];
	s4 =	simm.s32 @!p0 $0x0;
	(pc) =	sbr.rel .LBB1_1-.Ltmp0, $4  }
0xa: {  	s6 =	sadd.s32 $0x800, s7;
	s3 =	rddreg [dreg:$0x1];
	s5 =	sadd.s32 s4, s5  }
0xb: {  	_ =	strace $0x80000051;
	s4 =	simm.s32 $0x1;
	s5 =	smul.u32 $0x19, s5  }
0xc: {  	s7 =	sadd.s32 $0x40800, s7;
	s10 =	smov.u32 s2;
	[sflag:s4] =	ssyncpa.u1 $0x0  }
0xd: {  	p0 =	por $0x0, $0x0;
	[sflag:s8] =	ssyncpa.u1 $0x0;
	s8 =	sadd.s32 $0x1, s5  }
.LBB1_7:
0xe: {  	s15 =	sadd.s32 $0x1000, s10  }
0xf: {  	s13 =	sadd.s32 $0x2, s11;
	s17 =	smov.u32 s11;
	p2 =	sgt.s32 s15, $0x3FFF  }
0x10: {  	s17 =	smov.u32 @p2 s13  }
0x11: {  	s15 =	smov.u32 @p2 s2;
	p2 =	sgt.s32 s17, $0x31  }
0x12: {  	s17 =	simm.s32 @p2 $0x0;
	p2 =	sne.s32 s12, s8  }
.Ltmp1:
0x13: {  	p1 =	slt.u32 s12, $0x2;
	(pc) =	sbr.rel @!p2 .LBB1_8-.Ltmp1, $4  }
0x14: {  	s16 =	simm.s32 @!p1 $0x2  }
0x15: {  	s14 =	smov.u32 s11;
	p0 =	por !p0, !p0;
	_ =	swait.ge @!p1 [sflag:s16], $0x2000  }
0x16: {  	s13 =	smov.u32 s10;
	[sflag:s16] =	ssyncset.done @!p1 $0x0;
	s10 =	smov.u32 s15  }
0x17: {  	s12 =	sadd.s32 $0x1, s12;
	[sflag:s16] =	ssyncadd.s32 @!p1 $0xFFFFE000;
	s11 =	smov.u32 s17  }
.LBB1_1:
0x18: {  	p1 =	sge.u32 s12, s5  }
0x19: {  	s15 =	sxor.u32 @!p1 $0xFFFFFFFF, s12;
	s16 =	sshll.u32 @!p1 s11, $0x12  }
0x1a: {  	s17 =	sshll.u32 @!p1 s10, $0x4;
	s19 =	simm.s32 @!p1 $0x20;
	s20 =	simm.s32 @!p1 $0x80  }
0x1b: {  	s15 =	sshll.u32 @!p1 s15, $0xD;
	s17 =	sand.u32 @!p1 $0x3FFF0, s17;
	s18 =	sadd.s32 @!p1 s6, s16  }
0x1c: {  	s16 =	sadd.s32 @!p1 s16, s7;
	s15 =	sand.u32 @!p1 $0x2000, s15;
	s18 =	sadd.s32 @!p1 s17, s18  }
0x1d: {  	[tilespmem:s15], [sflag:$0x1] =	stream.strided.gather @!p1 [hbm4b:s18+s19], $0x1000, s20, s19, $0x38;
	[tilespmem:$0x8080] =	vst v63  }
0x1e: {  	s31 =	sadd.s32 $0xFFFFFFFF, s12;
	s16 =	sadd.s32 @!p1 s17, s16;
	s15 =	sor.u32 @!p1 $0x1000, s15  }
0x1f: {  	[tilespmem:s15], [sflag:$0x1] =	stream.strided.gather @!p1 [hbm4b:s16+s19], $0x1000, s20, s19, $0x38;
	[tilespmem:$0x8080] =	vst v63  }
0x20: {  	p1 =	sge.u32 s31, s5  }
.Ltmp2:
0x21: {  	_ = 	snop;
	(pc) =	sbr.rel @p1 .LBB1_7-.Ltmp2, $1  }
0x22: {  	_ =	sdelay $0x3  }
0x23: {  	s15 =	simm.s32 $0x1;
	s17 =	sand.u32 $0x1, s12  }
0x24: {  	_ =	swait.ge [sflag:s4], $0x2000;
	s15 =	simm.s32 @!p0 $0x0;
	s17 =	smul.u32 $0x8100, s17  }
0x25: {  	p2 =	por $0x1, $0x1;
	[sflag:s4] =	ssyncset.done $0x0;
	s16 =	smul.u32 $0x8100, s15  }
0x26: {  	s18 =	sshll.u32 s15, $0xF;
	[sflag:s4] =	ssyncadd.s32 $0xFFFFE000;
	s30 =	sshrl.u32 s17, $0x2  }
0x27: {  	s31 =	sshrl.u32 s18, $0x2;
	s18 =	simm.s32 $0x0;
	s16 =	sshrl.u32 s16, $0x2  }
0x28: {  	s15 =	sor.u32 $0x4000, s30;
	s17 =	sadd.s32 $0x10, s31;
	s16 =	sor.u32 $0x4000, s16  }
.LBB1_3:
0x29: {  	s19 =	sshll.u32 s18, $0xC  }
0x2a: {  	s19 =	sand.u32 $0x3FFFF000, s19  }
0x2b: {  	s20 =	sadd.s32 s19, s17  }
0x2c: {  	s31 =	smul.u32 $0x4080, s18;
	v1 =	vld [tilespmem:s20+$0x0]  }
0x2d: {  	v0 =	vld [tilespmem:s20+$0xFFFFFFF0]  }
0x2e: {  	s18 =	sshra.s32 s31, $0x2  }
0x2f: {  	s18 =	sadd.s32 s18, s16  }
0x30: {  	s21 =	sadd.s32 $0x0, s18  }
0x31: {  	p1 =	por p2, p2;
	s19 =	simm.s32 $0x4;
	s20 =	sadd.s32 $0x20, s20;
	[tilespmem:s21+$0x810 ss:$0x81] =	vst.msk $0xffff, v1  }
.LBB1_4:
0x32: {  	v1 =	vld [tilespmem:s20+$0x0];
	p2 =	sne.s32 s19, $0x1FC;
	[tilespmem:s21+$0x0 ss:$0x81] =	vst.msk $0xffff, v0;
	s21 =	smov.u32 s19;
	s19 =	sadd.s32 $0x4, s19  }
.Ltmp3:
0x33: {  	v0 =	vld [tilespmem:s20+$0xFFFFFFF0];
	(pc) =	sbr.rel @p2 .LBB1_4-.Ltmp3, $4  }
0x34: {  	_ = 	snop  }
0x35: {  	s21 =	sshra.s32 s21, $0x2  }
0x36: {  	s21 =	sadd.s32 s21, s18  }
0x37: {  	s20 =	sadd.s32 $0x20, s20;
	[tilespmem:s21+$0x810 ss:$0x81] =	vst.msk $0xffff, v1  }
.Ltmp4:
0x38: {  	(pc) =	sbr.rel @p1 .LBB1_3-.Ltmp4, $2  }
0x39: {  	_ =	sdelay $0x2  }
0x3a: {  	[tilespmem:s21+$0x0 ss:$0x81] =	vst.msk $0xffff, v0;
	s18 =	simm.s32 $0x1;
	p2 =	por $0x0, $0x0  }
0x3b: {  	s16 =	sshll.u32 s13, $0x3;
	s17 =	sand.u32 $0x78, s13;
	s14 =	sshll.u32 s14, $0x10  }
.Ltmp5:
0x3c: {  	s30 =	sand.u32 $0xF800, s13;
	s16 =	sand.u32 $0x3C00, s16;
	(pc) =	sbr.rel .LBB1_7-.Ltmp5, $4  }
0x3d: {  	s31 =	sand.u32 $0x7, s13;
	s14 =	sadd.s32 s3, s14;
	s16 =	sor.u32 s17, s16  }
0x3e: {  	s13 =	sshll.u32 s31, $0x12;
	s14 =	sadd.s32 s30, s14;
	s16 =	sshrl.u32 s16, $0x3  }
0x3f: {  	s13 =	sor.u32 $0x400, s13;
	s14 =	sadd.s32 s16, s14  }
0x40: {  	[hbm4b:s14+s13] =	stream.strided.scatter [tilespmem:s15], [sflag:$0x2], $0x2000, s9, s13, $0x20;
	[tilespmem:$0x8080] =	vst v63  }
.LBB1_8:
0x41: {  	_ =	sfence.sel $0x180000  }
0x42: {  	s2 =	simm.s32 $0x1;
	[bflag:$0x0] =	sbarrier.arrive $0xFFFF  }
0x43: {  	s31 =	simm.s32 $0x2;
	[sflag:s2] =	ssyncpa.u1 $0x1  }
0x44: {  	[sflag:s31] =	ssyncpa.u1 $0x1  }
0x45: {  	p0 =	sne.s32 s0, $0x0;
	_ =	strace $0x90000051  }
0x46: {  	s0 =	sadd.s32 @!p0 $0x100000, s1;
	[bflag:$0x2] =	sbarrier.arrive $0xFFFF  }
0x47: {  	[sflag:s0] =	ssyncadd.tile.s32 @!p0 $0x1;
	_ =	shalt  }
.Lfunc_end1:
_tile_overlayer_lowered:
.L_overlay_start_2:
0x48: {  	(tag) =	ssettag $0x2  }
0x49: {  	s0 =	rddreg [dreg:$0x0];
	s2 =	stileid.u32  }
0x4a: {  	s1 =	rddreg [dreg:$0x1];
	p0 =	sne.s32 s2, $0x0  }
0x4b: {  	s3 =	rddreg [dreg:$0x2];
	[bflag:$0x3] =	sbarrier.arrive $0xFFFF;
	s2 =	simm.s32 @!p0 $0x1C01  }
0x4c: {  	[timem:s3], [sflag:s2] =	dma.local @!p0 [hbm:s0], s1  }
0x4d: {  	s0 =	simm.s32 @!p0 $0x1  }
0x4e: {  	_ =	swait.ge @!p0 [sflag:s0], s1  }
0x4f: {  	s1 =	ssub.s32 @!p0 $0x0, s1;
	[sflag:s0] =	ssyncset.done @!p0 $0x0  }
0x50: {  	[sflag:s0] =	ssyncadd.s32 @!p0 s1  }
0x51: {  	[bflag:$0x3] =	sbarrier.arrive $0xFFFF  }
0x52: {  	_ =	shalt  }

</sc_bundles>
